<compile_context>
chip_gen: v7x
topology: tpu7x:2x2x1
jax: 0.10.2.dev20260603
libtpu: 0.0.44.dev20260713+nightly
codegen_flags: <defaults>
</compile_context>

<pallas_src>
import functools

import jax
import jax.numpy as jnp
from jax import lax
from jax.experimental import pallas as pl
from jax.experimental.pallas import tpu as pltpu
from jax.experimental.pallas import tpu_sc as plsc

N_NODES = 10000
N_EDGES = 320000
D = 128

NC = 2
NS = 16
NW = NC * NS
CHUNK = 128
BASE_CH = 78
LAST_CH = 82
EDGES_PER_W = BASE_CH * CHUNK
ROWS_PER_TILE = 640
LAST_ROWS = N_NODES - 15 * ROWS_PER_TILE

_mesh = plsc.VectorSubcoreMesh(core_axis_name="c", subcore_axis_name="s")

_DMA = pltpu.SemaphoreType.DMA


@functools.partial(
    pl.kernel,
    out_type=jax.ShapeDtypeStruct((NC, N_NODES, D), jnp.float32),
    mesh=_mesh,
    scratch_types=[
        pltpu.VMEM((1, CHUNK), jnp.int32),
        pltpu.VMEM((1, CHUNK), jnp.int32),
        pltpu.VMEM((1, CHUNK), jnp.int32),
        pltpu.VMEM((1, CHUNK), jnp.int32),
        pltpu.VMEM((CHUNK, D), jnp.float32),
        pltpu.VMEM((CHUNK, D), jnp.float32),
        pltpu.VMEM_SHARED((N_NODES, D), jnp.float32),
        _DMA, _DMA, _DMA, _DMA, _DMA, _DMA,
    ],
)
def _segsum_sc(edge_hbm, feat_hbm, zeros_hbm, out_hbm, *refs):
    SI = refs[0:2]
    DI = refs[2:4]
    R = refs[4:6]
    acc = refs[6]
    S = refs[7:9]
    Dm = refs[9:11]
    G = refs[11:13]

    c = lax.axis_index("c")
    s = lax.axis_index("s")
    w = s * NC + c
    base = w * EDGES_PER_W
    nch = jnp.where(w == NW - 1, LAST_CH, BASE_CH)

    def src_cp(q, m):
        off = pl.multiple_of(base + q * CHUNK, 8)
        return pltpu.async_copy(
            edge_hbm.at[pl.ds(0, 1), pl.ds(off, CHUNK)], SI[m], S[m])

    def dst_cp(q, m):
        off = pl.multiple_of(base + q * CHUNK, 8)
        return pltpu.async_copy(
            edge_hbm.at[pl.ds(1, 1), pl.ds(off, CHUNK)], DI[m], Dm[m])

    def swait(m):
        pltpu.make_async_copy(
            edge_hbm.at[pl.ds(0, 1), pl.ds(0, CHUNK)], SI[m], S[m]).wait()

    def dwait(m):
        pltpu.make_async_copy(
            edge_hbm.at[pl.ds(1, 1), pl.ds(0, CHUNK)], DI[m], Dm[m]).wait()

    def gather(m):
        return pltpu.async_copy(feat_hbm.at[SI[m].at[0]], R[m], G[m])

    def gwait(m):
        pltpu.make_async_copy(feat_hbm.at[SI[m].at[0]], R[m], G[m]).wait()

    def scatter(m):
        pltpu.sync_copy(R[m], acc.at[DI[m].at[0]], add=True)

    def phase(q, p, has_t, has_dst_pref, has_next, has_src_pref):
        o = 1 - p
        if has_dst_pref:
            dst_cp(q + 1, o)
        if has_next:
            swait(o)
            gather(o)
        gwait(p)
        if has_src_pref:
            src_cp(q + 2, p)
        dwait(p)
        scatter(p)

    src_cp(0, 0)
    src_cp(1, 1)
    dst_cp(0, 0)
    dst_cp(1, 1)
    swait(0)
    gather(0)
    pltpu.sync_copy(zeros_hbm, R[1])
    nz = jnp.where(s == NS - 1, LAST_ROWS // CHUNK, ROWS_PER_TILE // CHUNK)

    def zbody(z, carry):
        pltpu.sync_copy(
            R[1], acc.at[pl.ds(s * ROWS_PER_TILE + z * CHUNK, CHUNK)])
        return carry

    lax.fori_loop(0, nz, zbody, 0, unroll=False)

    ZREM = LAST_ROWS - (LAST_ROWS // CHUNK) * CHUNK

    @pl.when(s == NS - 1)
    def _():
        pltpu.sync_copy(
            R[1].at[pl.ds(0, ZREM)],
            acc.at[pl.ds((NS - 1) * ROWS_PER_TILE
                         + (LAST_ROWS // CHUNK) * CHUNK, ZREM)])

    plsc.subcore_barrier()

    phase(0, 0, False, False, True, True)
    phase(1, 1, True, True, True, True)

    def body(i, carry):
        q = 2 * i + 2
        phase(q, 0, True, True, True, True)
        phase(q + 1, 1, True, True, True, True)
        return carry

    lax.fori_loop(0, (nch - 4) // 2, body, 0, unroll=False)

    qT = nch - 2
    phase(qT, 0, True, True, True, False)
    phase(qT + 1, 1, True, False, False, False)
    plsc.subcore_barrier()

    @pl.when(s < NS - 1)
    def _():
        pltpu.sync_copy(acc.at[pl.ds(s * ROWS_PER_TILE, ROWS_PER_TILE)],
                        out_hbm.at[c, pl.ds(s * ROWS_PER_TILE, ROWS_PER_TILE)])

    @pl.when(s == NS - 1)
    def _():
        pltpu.sync_copy(acc.at[pl.ds((NS - 1) * ROWS_PER_TILE, LAST_ROWS)],
                        out_hbm.at[c, pl.ds((NS - 1) * ROWS_PER_TILE, LAST_ROWS)])


ROW_BLK = 2000


def _mm_body(p_ref, w_ref, b_ref, o_ref):
    h = p_ref[0] + p_ref[1]
    o_ref[...] = (
        lax.dot_general(h, w_ref[...], (((1,), (1,)), ((), ())),
                        preferred_element_type=jnp.float32)
        + b_ref[...]
    )


_mm_call = pl.pallas_call(
    _mm_body,
    grid=(N_NODES // ROW_BLK,),
    in_specs=[
        pl.BlockSpec((NC, ROW_BLK, D), lambda i: (0, i, 0)),
        pl.BlockSpec((D, D), lambda i: (0, 0)),
        pl.BlockSpec((1, D), lambda i: (0, 0)),
    ],
    out_specs=pl.BlockSpec((ROW_BLK, D), lambda i: (i, 0)),
    out_shape=jax.ShapeDtypeStruct((N_NODES, D), jnp.float32),
)


def kernel(feature, edge_index, W, b):
    zeros = jnp.zeros((CHUNK, D), jnp.float32)
    partials = _segsum_sc(edge_index, feature, zeros)
    return _mm_call(partials, W, b.reshape(1, D))

# --- scband reference (transcript-rebuilt; emitter-appended) ---
"""Pipeline reference for scband-gcnlayer-49246095016424 (READ-ONLY COPY).

The authoritative reference and input builder live on the scoring server;
editing this copy changes nothing except your own understanding.
"""

import jax, jax.numpy as jnp
import numpy as np

N_NODES = 10000
N_EDGES = 320000
D_IN = 128
D_OUT = 128

def setup_inputs(seed: int = 0) -> dict:
    key = jax.random.key(seed)
    k1, k2, k3, k4 = jax.random.split(key, 4)
    feature = jax.random.normal(k1, (N_NODES, D_IN), dtype=jnp.float32)
    edge_index = jax.random.randint(k2, (2, N_EDGES), 0, N_NODES, dtype=jnp.int32)
    # nn.Linear(in_feats, out_feats): W has shape [out, in], b has shape [out]
    bound = 1.0 / np.sqrt(D_IN)
    W = jax.random.uniform(k3, (D_OUT, D_IN), minval=-bound, maxval=bound, dtype=jnp.float32)
    b = jax.random.uniform(k4, (D_OUT,), minval=-bound, maxval=bound, dtype=jnp.float32)
    return {"feature": feature, "edge_index": edge_index, "W": W, "b": b}

def reference(feature, edge_index, W, b):
    # DGL update_all(copy_src('h','m'), sum('m','h')):
    # gather source-node features along edges, scatter-add into destination nodes
    src = edge_index[0]
    dst = edge_index[1]
    msgs = jnp.take(feature, src, axis=0)                      # gather: [E, D_IN]
    h = jax.ops.segment_sum(msgs, dst, num_segments=feature.shape[0])  # scatter-add: [N, D_IN]
    # self.linear(h)
    return h @ W.T + b

if __name__ == "__main__":
    import jax
    _d = setup_inputs()
    print(jax.jit(kernel)(*tuple(_d.values())))

</pallas_src>

<mosaic_0001>
#map = affine_map<(d0, d1) -> (0, 0)>
#map1 = affine_map<(d0, d1) -> (0, 0, 0)>
module attributes {stable_mosaic.version = 14 : i64} {
  func.func @_segsum_sc(%arg0: i32, %arg1: i32, %arg2: memref<2x320000xi32, #tpu.memory_space<hbm>>, %arg3: memref<10000x128xf32, #tpu.memory_space<hbm>>, %arg4: memref<128x128xf32, #tpu.memory_space<hbm>>, %arg5: memref<2x10000x128xf32, #tpu.memory_space<hbm>>, %arg6: memref<1x128xi32, #tpu.memory_space<vmem>>, %arg7: memref<1x128xi32, #tpu.memory_space<vmem>>, %arg8: memref<1x128xi32, #tpu.memory_space<vmem>>, %arg9: memref<1x128xi32, #tpu.memory_space<vmem>>, %arg10: memref<128x128xf32, #tpu.memory_space<vmem>>, %arg11: memref<128x128xf32, #tpu.memory_space<vmem>>, %arg12: memref<10000x128xf32, #tpu.memory_space<vmem_shared>>, %arg13: memref<!tpu.dma_semaphore, #tpu.memory_space<semaphore_mem>>, %arg14: memref<!tpu.dma_semaphore, #tpu.memory_space<semaphore_mem>>, %arg15: memref<!tpu.dma_semaphore, #tpu.memory_space<semaphore_mem>>, %arg16: memref<!tpu.dma_semaphore, #tpu.memory_space<semaphore_mem>>, %arg17: memref<!tpu.dma_semaphore, #tpu.memory_space<semaphore_mem>>, %arg18: memref<!tpu.dma_semaphore, #tpu.memory_space<semaphore_mem>>) attributes {dimension_semantics = [#tpu.dimension_semantics<core_parallel>, #tpu.dimension_semantics<subcore_parallel>], iteration_bounds = array<i64: 2, 16>, scalar_prefetch = 0 : i64, scratch_operands = 13 : i64, tpu.core_type = #tpu.core_type<sc_vector_subcore>, window_params = [{transform_indices = #map}, {transform_indices = #map}, {transform_indices = #map}, {transform_indices = #map1}]} {
    %mul3A = arith.constant 2 : i32
    %mul3A_0 = arith.muli %arg1, %mul3A : i32
    %add3A = arith.addi %mul3A_0, %arg0 : i32
    %mul3A_1 = arith.constant 9984 : i32
    %mul3A_2 = arith.muli %add3A, %mul3A_1 : i32
    %eq3A = arith.constant 31 : i32
    %eq3A_3 = arith.cmpi eq, %add3A, %eq3A : i32
    %jit3A = arith.constant 82 : i32
    %jit3A_4 = arith.constant 78 : i32
    %select_n3A = arith.select %eq3A_3, %jit3A, %jit3A_4 : i32
    %add3A_5 = arith.constant 0 : i32
    %add3A_6 = arith.addi %mul3A_2, %add3A_5 : i32
    %multiple_of3A = tpu.assume_multiple %add3A_6, 8 : i32
    %dma_start3A = arith.constant 0 : i32
    %dma_start3A_7 = tpu.memref_slice %arg2[%dma_start3A, %multiple_of3A] : memref<2x320000xi32, #tpu.memory_space<hbm>> -> memref<1x128xi32, #tpu.memory_space<hbm>>
    %dma_start3A_8 = arith.constant 0 : i32
    %dma_start3A_9 = tpu.memref_slice %arg2[%dma_start3A_8, %multiple_of3A] : memref<2x320000xi32, #tpu.memory_space<hbm>> -> memref<1x128xi32, #tpu.memory_space<hbm>>
    tpu.enqueue_dma source(%dma_start3A_9 : memref<1x128xi32, #tpu.memory_space<hbm>>) target(%arg6 : memref<1x128xi32, #tpu.memory_space<vmem>>) target_semaphore(%arg13 : memref<!tpu.dma_semaphore, #tpu.memory_space<semaphore_mem>>)
    %add3A_10 = arith.constant 128 : i32
    %add3A_11 = arith.addi %mul3A_2, %add3A_10 : i32
    %multiple_of3A_12 = tpu.assume_multiple %add3A_11, 8 : i32
    %dma_start3A_13 = arith.constant 0 : i32
    %dma_start3A_14 = tpu.memref_slice %arg2[%dma_start3A_13, %multiple_of3A_12] : memref<2x320000xi32, #tpu.memory_space<hbm>> -> memref<1x128xi32, #tpu.memory_space<hbm>>
    %dma_start3A_15 = arith.constant 0 : i32
    %dma_start3A_16 = tpu.memref_slice %arg2[%dma_start3A_15, %multiple_of3A_12] : memref<2x320000xi32, #tpu.memory_space<hbm>> -> memref<1x128xi32, #tpu.memory_space<hbm>>
    tpu.enqueue_dma source(%dma_start3A_16 : memref<1x128xi32, #tpu.memory_space<hbm>>) target(%arg7 : memref<1x128xi32, #tpu.memory_space<vmem>>) target_semaphore(%arg14 : memref<!tpu.dma_semaphore, #tpu.memory_space<semaphore_mem>>)
    %add3A_17 = arith.constant 0 : i32
    %add3A_18 = arith.addi %mul3A_2, %add3A_17 : i32
    %multiple_of3A_19 = tpu.assume_multiple %add3A_18, 8 : i32
    %dma_start3A_20 = arith.constant 1 : i32
    %dma_start3A_21 = tpu.memref_slice %arg2[%dma_start3A_20, %multiple_of3A_19] : memref<2x320000xi32, #tpu.memory_space<hbm>> -> memref<1x128xi32, #tpu.memory_space<hbm>>
    %dma_start3A_22 = arith.constant 1 : i32
    %dma_start3A_23 = tpu.memref_slice %arg2[%dma_start3A_22, %multiple_of3A_19] : memref<2x320000xi32, #tpu.memory_space<hbm>> -> memref<1x128xi32, #tpu.memory_space<hbm>>
    tpu.enqueue_dma source(%dma_start3A_23 : memref<1x128xi32, #tpu.memory_space<hbm>>) target(%arg8 : memref<1x128xi32, #tpu.memory_space<vmem>>) target_semaphore(%arg15 : memref<!tpu.dma_semaphore, #tpu.memory_space<semaphore_mem>>)
    %add3A_24 = arith.constant 128 : i32
    %add3A_25 = arith.addi %mul3A_2, %add3A_24 : i32
    %multiple_of3A_26 = tpu.assume_multiple %add3A_25, 8 : i32
    %dma_start3A_27 = arith.constant 1 : i32
    %dma_start3A_28 = tpu.memref_slice %arg2[%dma_start3A_27, %multiple_of3A_26] : memref<2x320000xi32, #tpu.memory_space<hbm>> -> memref<1x128xi32, #tpu.memory_space<hbm>>
    %dma_start3A_29 = arith.constant 1 : i32
    %dma_start3A_30 = tpu.memref_slice %arg2[%dma_start3A_29, %multiple_of3A_26] : memref<2x320000xi32, #tpu.memory_space<hbm>> -> memref<1x128xi32, #tpu.memory_space<hbm>>
    tpu.enqueue_dma source(%dma_start3A_30 : memref<1x128xi32, #tpu.memory_space<hbm>>) target(%arg9 : memref<1x128xi32, #tpu.memory_space<vmem>>) target_semaphore(%arg16 : memref<!tpu.dma_semaphore, #tpu.memory_space<semaphore_mem>>)
    %dma_wait3A = arith.constant 0 : i32
    %dma_wait3A_31 = arith.constant 0 : i32
    %dma_wait3A_32 = tpu.memref_slice %arg2[%dma_wait3A, %dma_wait3A_31] : memref<2x320000xi32, #tpu.memory_space<hbm>> -> memref<1x128xi32, #tpu.memory_space<hbm>>
    %dma_wait3A_33 = arith.constant 0 : i32
    %dma_wait3A_34 = arith.constant 0 : i32
    %dma_wait3A_35 = tpu.memref_slice %arg2[%dma_wait3A_33, %dma_wait3A_34] : memref<2x320000xi32, #tpu.memory_space<hbm>> -> memref<1x128xi32, #tpu.memory_space<hbm>>
    tpu.wait_dma2 semaphore(%arg13 : memref<!tpu.dma_semaphore, #tpu.memory_space<semaphore_mem>>) src(%dma_wait3A_35 : memref<1x128xi32, #tpu.memory_space<hbm>>) dst(%arg6 : memref<1x128xi32, #tpu.memory_space<vmem>>)
    %dma_start3A_36 = arith.constant 0 : i32
    %dma_start3A_37 = arith.constant 0 : i32
    %dma_start3A_38 = tpu.memref_slice %arg6[%dma_start3A_36, %dma_start3A_37] : memref<1x128xi32, #tpu.memory_space<vmem>> -> memref<1x128xi32, #tpu.memory_space<vmem>>
    %dma_start3A_39 = tpu.memref_squeeze %dma_start3A_38 : memref<1x128xi32, #tpu.memory_space<vmem>> -> memref<128xi32, #tpu.memory_space<vmem>>
    %dma_start3A_40 = arith.constant 0 : i32
    %dma_start3A_41 = arith.constant 0 : i32
    %dma_start3A_42 = tpu.memref_slice %arg3[%dma_start3A_40, %dma_start3A_41] : memref<10000x128xf32, #tpu.memory_space<hbm>> -> memref<10000x128xf32, #tpu.memory_space<hbm>>
    tpu.enqueue_indirect_dma source(%dma_start3A_42 : memref<10000x128xf32, #tpu.memory_space<hbm>>) target(%arg10 : memref<128x128xf32, #tpu.memory_space<vmem>>) offsets(%dma_start3A_39 : memref<128xi32, #tpu.memory_space<vmem>>) semaphore(%arg17 : memref<!tpu.dma_semaphore, #tpu.memory_space<semaphore_mem>>)
    "tpu.region"() ({
      %run_scoped3A_229 = tpu.sem_alloc : memref<!tpu.dma_semaphore, #tpu.memory_space<semaphore_mem>>
      tpu.enqueue_dma source(%arg4 : memref<128x128xf32, #tpu.memory_space<hbm>>) target(%arg11 : memref<128x128xf32, #tpu.memory_space<vmem>>) target_semaphore(%run_scoped3A_229 : memref<!tpu.dma_semaphore, #tpu.memory_space<semaphore_mem>>)
      tpu.wait_dma2 semaphore(%run_scoped3A_229 : memref<!tpu.dma_semaphore, #tpu.memory_space<semaphore_mem>>) src(%arg4 : memref<128x128xf32, #tpu.memory_space<hbm>>) dst(%arg11 : memref<128x128xf32, #tpu.memory_space<vmem>>)
      tpu.yield
    }) : () -> ()
    %eq3A_43 = arith.constant 15 : i32
    %eq3A_44 = arith.cmpi eq, %arg1, %eq3A_43 : i32
    %jit3A_45 = arith.constant 3 : i32
    %jit3A_46 = arith.constant 5 : i32
    %select_n3A_47 = arith.select %eq3A_44, %jit3A_45, %jit3A_46 : i32
    %while3A = arith.constant 0 : i32
    %while3A_48 = arith.constant 0 : i32
    %while3A_49 = arith.subi %select_n3A_47, %while3A_48 : i32
    %while3A_50 = arith.addi %while3A_48, %while3A_49 : i32
    %while3A_51 = arith.constant 1 : i32
    %while3A_52 = arith.divsi %while3A_49, %while3A_51 : i32
    %while3A_53 = arith.muli %while3A_52, %while3A_51 : i32
    %while3A_54 = arith.addi %while3A_48, %while3A_53 : i32
    %while3A_55 = arith.constant 1 : i32
    scf.for %while3A_229 = %while3A_48 to %while3A_54 step %while3A_55  : i32 {
      %mul3A_230 = arith.constant 640 : i32
      %mul3A_231 = arith.muli %arg1, %mul3A_230 : i32
      %mul3A_232 = arith.constant 128 : i32
      %mul3A_233 = arith.muli %while3A_229, %mul3A_232 : i32
      %add3A_234 = arith.addi %mul3A_231, %mul3A_233 : i32
      "tpu.region"() ({
        %run_scoped3A_235 = tpu.sem_alloc : memref<!tpu.dma_semaphore, #tpu.memory_space<semaphore_mem>>
        %dma_start3A_236 = arith.constant 0 : i32
        %dma_start3A_237 = tpu.memref_slice %arg12[%add3A_234, %dma_start3A_236] : memref<10000x128xf32, #tpu.memory_space<vmem_shared>> -> memref<128x128xf32, #tpu.memory_space<vmem_shared>>
        %dma_start3A_238 = arith.constant 0 : i32
        %dma_start3A_239 = tpu.memref_slice %arg12[%add3A_234, %dma_start3A_238] : memref<10000x128xf32, #tpu.memory_space<vmem_shared>> -> memref<128x128xf32, #tpu.memory_space<vmem_shared>>
        tpu.enqueue_dma source(%arg11 : memref<128x128xf32, #tpu.memory_space<vmem>>) target(%dma_start3A_239 : memref<128x128xf32, #tpu.memory_space<vmem_shared>>) target_semaphore(%run_scoped3A_235 : memref<!tpu.dma_semaphore, #tpu.memory_space<semaphore_mem>>)
        %dma_wait3A_240 = arith.constant 0 : i32
        %dma_wait3A_241 = tpu.memref_slice %arg12[%add3A_234, %dma_wait3A_240] : memref<10000x128xf32, #tpu.memory_space<vmem_shared>> -> memref<128x128xf32, #tpu.memory_space<vmem_shared>>
        %dma_wait3A_242 = arith.constant 0 : i32
        %dma_wait3A_243 = tpu.memref_slice %arg12[%add3A_234, %dma_wait3A_242] : memref<10000x128xf32, #tpu.memory_space<vmem_shared>> -> memref<128x128xf32, #tpu.memory_space<vmem_shared>>
        tpu.wait_dma2 semaphore(%run_scoped3A_235 : memref<!tpu.dma_semaphore, #tpu.memory_space<semaphore_mem>>) src(%arg11 : memref<128x128xf32, #tpu.memory_space<vmem>>) dst(%dma_wait3A_243 : memref<128x128xf32, #tpu.memory_space<vmem_shared>>)
        tpu.yield
      }) : () -> ()
    }
    %while3A_56 = arith.constant 1 : i32
    scf.for %while3A_229 = %while3A_54 to %while3A_50 step %while3A_56  : i32 {
      %mul3A_230 = arith.constant 640 : i32
      %mul3A_231 = arith.muli %arg1, %mul3A_230 : i32
      %mul3A_232 = arith.constant 128 : i32
      %mul3A_233 = arith.muli %while3A_229, %mul3A_232 : i32
      %add3A_234 = arith.addi %mul3A_231, %mul3A_233 : i32
      "tpu.region"() ({
        %run_scoped3A_235 = tpu.sem_alloc : memref<!tpu.dma_semaphore, #tpu.memory_space<semaphore_mem>>
        %dma_start3A_236 = arith.constant 0 : i32
        %dma_start3A_237 = tpu.memref_slice %arg12[%add3A_234, %dma_start3A_236] : memref<10000x128xf32, #tpu.memory_space<vmem_shared>> -> memref<128x128xf32, #tpu.memory_space<vmem_shared>>
        %dma_start3A_238 = arith.constant 0 : i32
        %dma_start3A_239 = tpu.memref_slice %arg12[%add3A_234, %dma_start3A_238] : memref<10000x128xf32, #tpu.memory_space<vmem_shared>> -> memref<128x128xf32, #tpu.memory_space<vmem_shared>>
        tpu.enqueue_dma source(%arg11 : memref<128x128xf32, #tpu.memory_space<vmem>>) target(%dma_start3A_239 : memref<128x128xf32, #tpu.memory_space<vmem_shared>>) target_semaphore(%run_scoped3A_235 : memref<!tpu.dma_semaphore, #tpu.memory_space<semaphore_mem>>)
        %dma_wait3A_240 = arith.constant 0 : i32
        %dma_wait3A_241 = tpu.memref_slice %arg12[%add3A_234, %dma_wait3A_240] : memref<10000x128xf32, #tpu.memory_space<vmem_shared>> -> memref<128x128xf32, #tpu.memory_space<vmem_shared>>
        %dma_wait3A_242 = arith.constant 0 : i32
        %dma_wait3A_243 = tpu.memref_slice %arg12[%add3A_234, %dma_wait3A_242] : memref<10000x128xf32, #tpu.memory_space<vmem_shared>> -> memref<128x128xf32, #tpu.memory_space<vmem_shared>>
        tpu.wait_dma2 semaphore(%run_scoped3A_235 : memref<!tpu.dma_semaphore, #tpu.memory_space<semaphore_mem>>) src(%arg11 : memref<128x128xf32, #tpu.memory_space<vmem>>) dst(%dma_wait3A_243 : memref<128x128xf32, #tpu.memory_space<vmem_shared>>)
        tpu.yield
      }) : () -> ()
    }
    %eq3A_57 = arith.constant 15 : i32
    %eq3A_58 = arith.cmpi eq, %arg1, %eq3A_57 : i32
    %convert_element_type3A = arith.extui %eq3A_58 : i1 to i32
    %cond3A = arith.constant 0 : i32
    %cond3A_59 = arith.cmpi ne, %convert_element_type3A, %cond3A : i32
    scf.if %cond3A_59 {
      "tpu.region"() ({
        %run_scoped3A_229 = tpu.sem_alloc : memref<!tpu.dma_semaphore, #tpu.memory_space<semaphore_mem>>
        %dma_start3A_230 = arith.constant 0 : i32
        %dma_start3A_231 = arith.constant 0 : i32
        %dma_start3A_232 = tpu.memref_slice %arg11[%dma_start3A_230, %dma_start3A_231] : memref<128x128xf32, #tpu.memory_space<vmem>> -> memref<16x128xf32, #tpu.memory_space<vmem>>
        %dma_start3A_233 = arith.constant 9984 : i32
        %dma_start3A_234 = arith.constant 0 : i32
        %dma_start3A_235 = tpu.memref_slice %arg12[%dma_start3A_233, %dma_start3A_234] : memref<10000x128xf32, #tpu.memory_space<vmem_shared>> -> memref<16x128xf32, #tpu.memory_space<vmem_shared>>
        %dma_start3A_236 = arith.constant 9984 : i32
        %dma_start3A_237 = arith.constant 0 : i32
        %dma_start3A_238 = tpu.memref_slice %arg12[%dma_start3A_236, %dma_start3A_237] : memref<10000x128xf32, #tpu.memory_space<vmem_shared>> -> memref<16x128xf32, #tpu.memory_space<vmem_shared>>
        %dma_start3A_239 = arith.constant 0 : i32
        %dma_start3A_240 = arith.constant 0 : i32
        %dma_start3A_241 = tpu.memref_slice %arg11[%dma_start3A_239, %dma_start3A_240] : memref<128x128xf32, #tpu.memory_space<vmem>> -> memref<16x128xf32, #tpu.memory_space<vmem>>
        tpu.enqueue_dma source(%dma_start3A_241 : memref<16x128xf32, #tpu.memory_space<vmem>>) target(%dma_start3A_238 : memref<16x128xf32, #tpu.memory_space<vmem_shared>>) target_semaphore(%run_scoped3A_229 : memref<!tpu.dma_semaphore, #tpu.memory_space<semaphore_mem>>)
        %dma_wait3A_242 = arith.constant 0 : i32
        %dma_wait3A_243 = arith.constant 0 : i32
        %dma_wait3A_244 = tpu.memref_slice %arg11[%dma_wait3A_242, %dma_wait3A_243] : memref<128x128xf32, #tpu.memory_space<vmem>> -> memref<16x128xf32, #tpu.memory_space<vmem>>
        %dma_wait3A_245 = arith.constant 9984 : i32
        %dma_wait3A_246 = arith.constant 0 : i32
        %dma_wait3A_247 = tpu.memref_slice %arg12[%dma_wait3A_245, %dma_wait3A_246] : memref<10000x128xf32, #tpu.memory_space<vmem_shared>> -> memref<16x128xf32, #tpu.memory_space<vmem_shared>>
        %dma_wait3A_248 = arith.constant 9984 : i32
        %dma_wait3A_249 = arith.constant 0 : i32
        %dma_wait3A_250 = tpu.memref_slice %arg12[%dma_wait3A_248, %dma_wait3A_249] : memref<10000x128xf32, #tpu.memory_space<vmem_shared>> -> memref<16x128xf32, #tpu.memory_space<vmem_shared>>
        %dma_wait3A_251 = arith.constant 0 : i32
        %dma_wait3A_252 = arith.constant 0 : i32
        %dma_wait3A_253 = tpu.memref_slice %arg11[%dma_wait3A_251, %dma_wait3A_252] : memref<128x128xf32, #tpu.memory_space<vmem>> -> memref<16x128xf32, #tpu.memory_space<vmem>>
        tpu.wait_dma2 semaphore(%run_scoped3A_229 : memref<!tpu.dma_semaphore, #tpu.memory_space<semaphore_mem>>) src(%dma_wait3A_253 : memref<16x128xf32, #tpu.memory_space<vmem>>) dst(%dma_wait3A_250 : memref<16x128xf32, #tpu.memory_space<vmem_shared>>)
        tpu.yield
      }) : () -> ()
    } else {
    }
    %barrier3A = arith.constant 0 : index
    tpu.barrier barrier_id(%barrier3A)
    %dma_wait3A_60 = arith.constant 0 : i32
    %dma_wait3A_61 = arith.constant 0 : i32
    %dma_wait3A_62 = tpu.memref_slice %arg2[%dma_wait3A_60, %dma_wait3A_61] : memref<2x320000xi32, #tpu.memory_space<hbm>> -> memref<1x128xi32, #tpu.memory_space<hbm>>
    %dma_wait3A_63 = arith.constant 0 : i32
    %dma_wait3A_64 = arith.constant 0 : i32
    %dma_wait3A_65 = tpu.memref_slice %arg2[%dma_wait3A_63, %dma_wait3A_64] : memref<2x320000xi32, #tpu.memory_space<hbm>> -> memref<1x128xi32, #tpu.memory_space<hbm>>
    tpu.wait_dma2 semaphore(%arg14 : memref<!tpu.dma_semaphore, #tpu.memory_space<semaphore_mem>>) src(%dma_wait3A_65 : memref<1x128xi32, #tpu.memory_space<hbm>>) dst(%arg7 : memref<1x128xi32, #tpu.memory_space<vmem>>)
    %dma_start3A_66 = arith.constant 0 : i32
    %dma_start3A_67 = arith.constant 0 : i32
    %dma_start3A_68 = tpu.memref_slice %arg7[%dma_start3A_66, %dma_start3A_67] : memref<1x128xi32, #tpu.memory_space<vmem>> -> memref<1x128xi32, #tpu.memory_space<vmem>>
    %dma_start3A_69 = tpu.memref_squeeze %dma_start3A_68 : memref<1x128xi32, #tpu.memory_space<vmem>> -> memref<128xi32, #tpu.memory_space<vmem>>
    %dma_start3A_70 = arith.constant 0 : i32
    %dma_start3A_71 = arith.constant 0 : i32
    %dma_start3A_72 = tpu.memref_slice %arg3[%dma_start3A_70, %dma_start3A_71] : memref<10000x128xf32, #tpu.memory_space<hbm>> -> memref<10000x128xf32, #tpu.memory_space<hbm>>
    tpu.enqueue_indirect_dma source(%dma_start3A_72 : memref<10000x128xf32, #tpu.memory_space<hbm>>) target(%arg11 : memref<128x128xf32, #tpu.memory_space<vmem>>) offsets(%dma_start3A_69 : memref<128xi32, #tpu.memory_space<vmem>>) semaphore(%arg18 : memref<!tpu.dma_semaphore, #tpu.memory_space<semaphore_mem>>)
    %dma_wait3A_73 = arith.constant 0 : i32
    %dma_wait3A_74 = arith.constant 0 : i32
    %dma_wait3A_75 = tpu.memref_slice %arg6[%dma_wait3A_73, %dma_wait3A_74] : memref<1x128xi32, #tpu.memory_space<vmem>> -> memref<1x128xi32, #tpu.memory_space<vmem>>
    %dma_wait3A_76 = tpu.memref_squeeze %dma_wait3A_75 : memref<1x128xi32, #tpu.memory_space<vmem>> -> memref<128xi32, #tpu.memory_space<vmem>>
    %dma_wait3A_77 = arith.constant 0 : i32
    %dma_wait3A_78 = arith.constant 0 : i32
    %dma_wait3A_79 = tpu.memref_slice %arg3[%dma_wait3A_77, %dma_wait3A_78] : memref<10000x128xf32, #tpu.memory_space<hbm>> -> memref<10000x128xf32, #tpu.memory_space<hbm>>
    tpu.wait_indirect_dma semaphore(%arg17 : memref<!tpu.dma_semaphore, #tpu.memory_space<semaphore_mem>>) src(%dma_wait3A_79 : memref<10000x128xf32, #tpu.memory_space<hbm>>) dst(%arg10 : memref<128x128xf32, #tpu.memory_space<vmem>>)
    %add3A_80 = arith.constant 256 : i32
    %add3A_81 = arith.addi %mul3A_2, %add3A_80 : i32
    %multiple_of3A_82 = tpu.assume_multiple %add3A_81, 8 : i32
    %dma_start3A_83 = arith.constant 0 : i32
    %dma_start3A_84 = tpu.memref_slice %arg2[%dma_start3A_83, %multiple_of3A_82] : memref<2x320000xi32, #tpu.memory_space<hbm>> -> memref<1x128xi32, #tpu.memory_space<hbm>>
    %dma_start3A_85 = arith.constant 0 : i32
    %dma_start3A_86 = tpu.memref_slice %arg2[%dma_start3A_85, %multiple_of3A_82] : memref<2x320000xi32, #tpu.memory_space<hbm>> -> memref<1x128xi32, #tpu.memory_space<hbm>>
    tpu.enqueue_dma source(%dma_start3A_86 : memref<1x128xi32, #tpu.memory_space<hbm>>) target(%arg6 : memref<1x128xi32, #tpu.memory_space<vmem>>) target_semaphore(%arg13 : memref<!tpu.dma_semaphore, #tpu.memory_space<semaphore_mem>>)
    %dma_wait3A_87 = arith.constant 1 : i32
    %dma_wait3A_88 = arith.constant 0 : i32
    %dma_wait3A_89 = tpu.memref_slice %arg2[%dma_wait3A_87, %dma_wait3A_88] : memref<2x320000xi32, #tpu.memory_space<hbm>> -> memref<1x128xi32, #tpu.memory_space<hbm>>
    %dma_wait3A_90 = arith.constant 1 : i32
    %dma_wait3A_91 = arith.constant 0 : i32
    %dma_wait3A_92 = tpu.memref_slice %arg2[%dma_wait3A_90, %dma_wait3A_91] : memref<2x320000xi32, #tpu.memory_space<hbm>> -> memref<1x128xi32, #tpu.memory_space<hbm>>
    tpu.wait_dma2 semaphore(%arg15 : memref<!tpu.dma_semaphore, #tpu.memory_space<semaphore_mem>>) src(%dma_wait3A_92 : memref<1x128xi32, #tpu.memory_space<hbm>>) dst(%arg8 : memref<1x128xi32, #tpu.memory_space<vmem>>)
    %run_scoped3A = arith.constant 0 : i32
    "tpu.region"() ({
      %run_scoped3A_229 = tpu.sem_alloc : memref<!tpu.dma_semaphore, #tpu.memory_space<semaphore_mem>>
      %dma_start3A_230 = arith.constant 0 : i32
      %dma_start3A_231 = tpu.memref_slice %arg8[%run_scoped3A, %dma_start3A_230] : memref<1x128xi32, #tpu.memory_space<vmem>> -> memref<1x128xi32, #tpu.memory_space<vmem>>
      %dma_start3A_232 = tpu.memref_squeeze %dma_start3A_231 : memref<1x128xi32, #tpu.memory_space<vmem>> -> memref<128xi32, #tpu.memory_space<vmem>>
      %dma_start3A_233 = arith.constant 0 : i32
      %dma_start3A_234 = arith.constant 0 : i32
      %dma_start3A_235 = tpu.memref_slice %arg12[%dma_start3A_233, %dma_start3A_234] : memref<10000x128xf32, #tpu.memory_space<vmem_shared>> -> memref<10000x128xf32, #tpu.memory_space<vmem_shared>>
      tpu.enqueue_indirect_dma source(%arg10 : memref<128x128xf32, #tpu.memory_space<vmem>>) target(%dma_start3A_235 : memref<10000x128xf32, #tpu.memory_space<vmem_shared>>) offsets(%dma_start3A_232 : memref<128xi32, #tpu.memory_space<vmem>>) semaphore(%run_scoped3A_229 : memref<!tpu.dma_semaphore, #tpu.memory_space<semaphore_mem>>) {add = true}
      %dma_wait3A_236 = arith.constant 0 : i32
      %dma_wait3A_237 = tpu.memref_slice %arg8[%run_scoped3A, %dma_wait3A_236] : memref<1x128xi32, #tpu.memory_space<vmem>> -> memref<1x128xi32, #tpu.memory_space<vmem>>
      %dma_wait3A_238 = tpu.memref_squeeze %dma_wait3A_237 : memref<1x128xi32, #tpu.memory_space<vmem>> -> memref<128xi32, #tpu.memory_space<vmem>>
      %dma_wait3A_239 = arith.constant 0 : i32
      %dma_wait3A_240 = arith.constant 0 : i32
      %dma_wait3A_241 = tpu.memref_slice %arg12[%dma_wait3A_239, %dma_wait3A_240] : memref<10000x128xf32, #tpu.memory_space<vmem_shared>> -> memref<10000x128xf32, #tpu.memory_space<vmem_shared>>
      tpu.wait_indirect_dma semaphore(%run_scoped3A_229 : memref<!tpu.dma_semaphore, #tpu.memory_space<semaphore_mem>>) src(%arg10 : memref<128x128xf32, #tpu.memory_space<vmem>>) dst(%dma_wait3A_241 : memref<10000x128xf32, #tpu.memory_space<vmem_shared>>)
      tpu.yield
    }) : () -> ()
    %add3A_93 = arith.constant 256 : i32
    %add3A_94 = arith.addi %mul3A_2, %add3A_93 : i32
    %multiple_of3A_95 = tpu.assume_multiple %add3A_94, 8 : i32
    %dma_start3A_96 = arith.constant 1 : i32
    %dma_start3A_97 = tpu.memref_slice %arg2[%dma_start3A_96, %multiple_of3A_95] : memref<2x320000xi32, #tpu.memory_space<hbm>> -> memref<1x128xi32, #tpu.memory_space<hbm>>
    %dma_start3A_98 = arith.constant 1 : i32
    %dma_start3A_99 = tpu.memref_slice %arg2[%dma_start3A_98, %multiple_of3A_95] : memref<2x320000xi32, #tpu.memory_space<hbm>> -> memref<1x128xi32, #tpu.memory_space<hbm>>
    tpu.enqueue_dma source(%dma_start3A_99 : memref<1x128xi32, #tpu.memory_space<hbm>>) target(%arg8 : memref<1x128xi32, #tpu.memory_space<vmem>>) target_semaphore(%arg15 : memref<!tpu.dma_semaphore, #tpu.memory_space<semaphore_mem>>)
    %dma_wait3A_100 = arith.constant 0 : i32
    %dma_wait3A_101 = arith.constant 0 : i32
    %dma_wait3A_102 = tpu.memref_slice %arg2[%dma_wait3A_100, %dma_wait3A_101] : memref<2x320000xi32, #tpu.memory_space<hbm>> -> memref<1x128xi32, #tpu.memory_space<hbm>>
    %dma_wait3A_103 = arith.constant 0 : i32
    %dma_wait3A_104 = arith.constant 0 : i32
    %dma_wait3A_105 = tpu.memref_slice %arg2[%dma_wait3A_103, %dma_wait3A_104] : memref<2x320000xi32, #tpu.memory_space<hbm>> -> memref<1x128xi32, #tpu.memory_space<hbm>>
    tpu.wait_dma2 semaphore(%arg13 : memref<!tpu.dma_semaphore, #tpu.memory_space<semaphore_mem>>) src(%dma_wait3A_105 : memref<1x128xi32, #tpu.memory_space<hbm>>) dst(%arg6 : memref<1x128xi32, #tpu.memory_space<vmem>>)
    %dma_start3A_106 = arith.constant 0 : i32
    %dma_start3A_107 = arith.constant 0 : i32
    %dma_start3A_108 = tpu.memref_slice %arg6[%dma_start3A_106, %dma_start3A_107] : memref<1x128xi32, #tpu.memory_space<vmem>> -> memref<1x128xi32, #tpu.memory_space<vmem>>
    %dma_start3A_109 = tpu.memref_squeeze %dma_start3A_108 : memref<1x128xi32, #tpu.memory_space<vmem>> -> memref<128xi32, #tpu.memory_space<vmem>>
    %dma_start3A_110 = arith.constant 0 : i32
    %dma_start3A_111 = arith.constant 0 : i32
    %dma_start3A_112 = tpu.memref_slice %arg3[%dma_start3A_110, %dma_start3A_111] : memref<10000x128xf32, #tpu.memory_space<hbm>> -> memref<10000x128xf32, #tpu.memory_space<hbm>>
    tpu.enqueue_indirect_dma source(%dma_start3A_112 : memref<10000x128xf32, #tpu.memory_space<hbm>>) target(%arg10 : memref<128x128xf32, #tpu.memory_space<vmem>>) offsets(%dma_start3A_109 : memref<128xi32, #tpu.memory_space<vmem>>) semaphore(%arg17 : memref<!tpu.dma_semaphore, #tpu.memory_space<semaphore_mem>>)
    %dma_wait3A_113 = arith.constant 0 : i32
    %dma_wait3A_114 = arith.constant 0 : i32
    %dma_wait3A_115 = tpu.memref_slice %arg7[%dma_wait3A_113, %dma_wait3A_114] : memref<1x128xi32, #tpu.memory_space<vmem>> -> memref<1x128xi32, #tpu.memory_space<vmem>>
    %dma_wait3A_116 = tpu.memref_squeeze %dma_wait3A_115 : memref<1x128xi32, #tpu.memory_space<vmem>> -> memref<128xi32, #tpu.memory_space<vmem>>
    %dma_wait3A_117 = arith.constant 0 : i32
    %dma_wait3A_118 = arith.constant 0 : i32
    %dma_wait3A_119 = tpu.memref_slice %arg3[%dma_wait3A_117, %dma_wait3A_118] : memref<10000x128xf32, #tpu.memory_space<hbm>> -> memref<10000x128xf32, #tpu.memory_space<hbm>>
    tpu.wait_indirect_dma semaphore(%arg18 : memref<!tpu.dma_semaphore, #tpu.memory_space<semaphore_mem>>) src(%dma_wait3A_119 : memref<10000x128xf32, #tpu.memory_space<hbm>>) dst(%arg11 : memref<128x128xf32, #tpu.memory_space<vmem>>)
    %add3A_120 = arith.constant 384 : i32
    %add3A_121 = arith.addi %mul3A_2, %add3A_120 : i32
    %multiple_of3A_122 = tpu.assume_multiple %add3A_121, 8 : i32
    %dma_start3A_123 = arith.constant 0 : i32
    %dma_start3A_124 = tpu.memref_slice %arg2[%dma_start3A_123, %multiple_of3A_122] : memref<2x320000xi32, #tpu.memory_space<hbm>> -> memref<1x128xi32, #tpu.memory_space<hbm>>
    %dma_start3A_125 = arith.constant 0 : i32
    %dma_start3A_126 = tpu.memref_slice %arg2[%dma_start3A_125, %multiple_of3A_122] : memref<2x320000xi32, #tpu.memory_space<hbm>> -> memref<1x128xi32, #tpu.memory_space<hbm>>
    tpu.enqueue_dma source(%dma_start3A_126 : memref<1x128xi32, #tpu.memory_space<hbm>>) target(%arg7 : memref<1x128xi32, #tpu.memory_space<vmem>>) target_semaphore(%arg14 : memref<!tpu.dma_semaphore, #tpu.memory_space<semaphore_mem>>)
    %dma_wait3A_127 = arith.constant 1 : i32
    %dma_wait3A_128 = arith.constant 0 : i32
    %dma_wait3A_129 = tpu.memref_slice %arg2[%dma_wait3A_127, %dma_wait3A_128] : memref<2x320000xi32, #tpu.memory_space<hbm>> -> memref<1x128xi32, #tpu.memory_space<hbm>>
    %dma_wait3A_130 = arith.constant 1 : i32
    %dma_wait3A_131 = arith.constant 0 : i32
    %dma_wait3A_132 = tpu.memref_slice %arg2[%dma_wait3A_130, %dma_wait3A_131] : memref<2x320000xi32, #tpu.memory_space<hbm>> -> memref<1x128xi32, #tpu.memory_space<hbm>>
    tpu.wait_dma2 semaphore(%arg16 : memref<!tpu.dma_semaphore, #tpu.memory_space<semaphore_mem>>) src(%dma_wait3A_132 : memref<1x128xi32, #tpu.memory_space<hbm>>) dst(%arg9 : memref<1x128xi32, #tpu.memory_space<vmem>>)
    %run_scoped3A_133 = arith.constant 0 : i32
    "tpu.region"() ({
      %run_scoped3A_229 = tpu.sem_alloc : memref<!tpu.dma_semaphore, #tpu.memory_space<semaphore_mem>>
      %dma_start3A_230 = arith.constant 0 : i32
      %dma_start3A_231 = tpu.memref_slice %arg9[%run_scoped3A_133, %dma_start3A_230] : memref<1x128xi32, #tpu.memory_space<vmem>> -> memref<1x128xi32, #tpu.memory_space<vmem>>
      %dma_start3A_232 = tpu.memref_squeeze %dma_start3A_231 : memref<1x128xi32, #tpu.memory_space<vmem>> -> memref<128xi32, #tpu.memory_space<vmem>>
      %dma_start3A_233 = arith.constant 0 : i32
      %dma_start3A_234 = arith.constant 0 : i32
      %dma_start3A_235 = tpu.memref_slice %arg12[%dma_start3A_233, %dma_start3A_234] : memref<10000x128xf32, #tpu.memory_space<vmem_shared>> -> memref<10000x128xf32, #tpu.memory_space<vmem_shared>>
      tpu.enqueue_indirect_dma source(%arg11 : memref<128x128xf32, #tpu.memory_space<vmem>>) target(%dma_start3A_235 : memref<10000x128xf32, #tpu.memory_space<vmem_shared>>) offsets(%dma_start3A_232 : memref<128xi32, #tpu.memory_space<vmem>>) semaphore(%run_scoped3A_229 : memref<!tpu.dma_semaphore, #tpu.memory_space<semaphore_mem>>) {add = true}
      %dma_wait3A_236 = arith.constant 0 : i32
      %dma_wait3A_237 = tpu.memref_slice %arg9[%run_scoped3A_133, %dma_wait3A_236] : memref<1x128xi32, #tpu.memory_space<vmem>> -> memref<1x128xi32, #tpu.memory_space<vmem>>
      %dma_wait3A_238 = tpu.memref_squeeze %dma_wait3A_237 : memref<1x128xi32, #tpu.memory_space<vmem>> -> memref<128xi32, #tpu.memory_space<vmem>>
      %dma_wait3A_239 = arith.constant 0 : i32
      %dma_wait3A_240 = arith.constant 0 : i32
      %dma_wait3A_241 = tpu.memref_slice %arg12[%dma_wait3A_239, %dma_wait3A_240] : memref<10000x128xf32, #tpu.memory_space<vmem_shared>> -> memref<10000x128xf32, #tpu.memory_space<vmem_shared>>
      tpu.wait_indirect_dma semaphore(%run_scoped3A_229 : memref<!tpu.dma_semaphore, #tpu.memory_space<semaphore_mem>>) src(%arg11 : memref<128x128xf32, #tpu.memory_space<vmem>>) dst(%dma_wait3A_241 : memref<10000x128xf32, #tpu.memory_space<vmem_shared>>)
      tpu.yield
    }) : () -> ()
    %sub3A = arith.constant 4 : i32
    %sub3A_134 = arith.subi %select_n3A, %sub3A : i32
    %jit3A_135 = arith.constant 2 : i32
    %div3A = arith.divsi %sub3A_134, %jit3A_135 : i32
    %sign3A = arith.constant 0 : i32
    %sign3A_136 = arith.cmpi sgt, %sub3A_134, %sign3A : i32
    %sign3A_137 = arith.extui %sign3A_136 : i1 to i32
    %sign3A_138 = arith.constant 0 : i32
    %sign3A_139 = arith.cmpi slt, %sub3A_134, %sign3A_138 : i32
    %sign3A_140 = arith.extui %sign3A_139 : i1 to i32
    %sign3A_141 = arith.subi %sign3A_137, %sign3A_140 : i32
    %sign3A_142 = arith.constant 0 : i32
    %sign3A_143 = arith.cmpi sgt, %jit3A_135, %sign3A_142 : i32
    %sign3A_144 = arith.extui %sign3A_143 : i1 to i32
    %sign3A_145 = arith.constant 0 : i32
    %sign3A_146 = arith.cmpi slt, %jit3A_135, %sign3A_145 : i32
    %sign3A_147 = arith.extui %sign3A_146 : i1 to i32
    %sign3A_148 = arith.subi %sign3A_144, %sign3A_147 : i32
    %ne3A = arith.cmpi ne, %sign3A_141, %sign3A_148 : i32
    %rem3A = arith.remsi %sub3A_134, %jit3A_135 : i32
    %ne3A_149 = arith.constant 0 : i32
    %ne3A_150 = arith.cmpi ne, %rem3A, %ne3A_149 : i32
    %and3A = arith.andi %ne3A, %ne3A_150 : i1
    %sub3A_151 = arith.constant 1 : i32
    %sub3A_152 = arith.subi %div3A, %sub3A_151 : i32
    %select_n3A_153 = arith.select %and3A, %sub3A_152, %div3A : i32
    %while3A_154 = arith.constant 0 : i32
    %while3A_155 = arith.constant 0 : i32
    %while3A_156 = arith.subi %select_n3A_153, %while3A_155 : i32
    %while3A_157 = arith.addi %while3A_155, %while3A_156 : i32
    %while3A_158 = arith.constant 1 : i32
    %while3A_159 = arith.divsi %while3A_156, %while3A_158 : i32
    %while3A_160 = arith.muli %while3A_159, %while3A_158 : i32
    %while3A_161 = arith.addi %while3A_155, %while3A_160 : i32
    %while3A_162 = arith.constant 1 : i32
    scf.for %while3A_229 = %while3A_155 to %while3A_161 step %while3A_162  : i32 {
      %mul3A_230 = arith.constant 2 : i32
      %mul3A_231 = arith.muli %mul3A_230, %while3A_229 : i32
      %add3A_232 = arith.constant 2 : i32
      %add3A_233 = arith.addi %mul3A_231, %add3A_232 : i32
      %add3A_234 = arith.constant 1 : i32
      %add3A_235 = arith.addi %add3A_233, %add3A_234 : i32
      %mul3A_236 = arith.constant 128 : i32
      %mul3A_237 = arith.muli %add3A_235, %mul3A_236 : i32
      %add3A_238 = arith.addi %mul3A_2, %mul3A_237 : i32
      %multiple_of3A_239 = tpu.assume_multiple %add3A_238, 8 : i32
      %dma_start3A_240 = arith.constant 1 : i32
      %dma_start3A_241 = tpu.memref_slice %arg2[%dma_start3A_240, %multiple_of3A_239] : memref<2x320000xi32, #tpu.memory_space<hbm>> -> memref<1x128xi32, #tpu.memory_space<hbm>>
      %dma_start3A_242 = arith.constant 1 : i32
      %dma_start3A_243 = tpu.memref_slice %arg2[%dma_start3A_242, %multiple_of3A_239] : memref<2x320000xi32, #tpu.memory_space<hbm>> -> memref<1x128xi32, #tpu.memory_space<hbm>>
      tpu.enqueue_dma source(%dma_start3A_243 : memref<1x128xi32, #tpu.memory_space<hbm>>) target(%arg9 : memref<1x128xi32, #tpu.memory_space<vmem>>) target_semaphore(%arg16 : memref<!tpu.dma_semaphore, #tpu.memory_space<semaphore_mem>>)
      %dma_wait3A_244 = arith.constant 0 : i32
      %dma_wait3A_245 = arith.constant 0 : i32
      %dma_wait3A_246 = tpu.memref_slice %arg2[%dma_wait3A_244, %dma_wait3A_245] : memref<2x320000xi32, #tpu.memory_space<hbm>> -> memref<1x128xi32, #tpu.memory_space<hbm>>
      %dma_wait3A_247 = arith.constant 0 : i32
      %dma_wait3A_248 = arith.constant 0 : i32
      %dma_wait3A_249 = tpu.memref_slice %arg2[%dma_wait3A_247, %dma_wait3A_248] : memref<2x320000xi32, #tpu.memory_space<hbm>> -> memref<1x128xi32, #tpu.memory_space<hbm>>
      tpu.wait_dma2 semaphore(%arg14 : memref<!tpu.dma_semaphore, #tpu.memory_space<semaphore_mem>>) src(%dma_wait3A_249 : memref<1x128xi32, #tpu.memory_space<hbm>>) dst(%arg7 : memref<1x128xi32, #tpu.memory_space<vmem>>)
      %dma_start3A_250 = arith.constant 0 : i32
      %dma_start3A_251 = arith.constant 0 : i32
      %dma_start3A_252 = tpu.memref_slice %arg7[%dma_start3A_250, %dma_start3A_251] : memref<1x128xi32, #tpu.memory_space<vmem>> -> memref<1x128xi32, #tpu.memory_space<vmem>>
      %dma_start3A_253 = tpu.memref_squeeze %dma_start3A_252 : memref<1x128xi32, #tpu.memory_space<vmem>> -> memref<128xi32, #tpu.memory_space<vmem>>
      %dma_start3A_254 = arith.constant 0 : i32
      %dma_start3A_255 = arith.constant 0 : i32
      %dma_start3A_256 = tpu.memref_slice %arg3[%dma_start3A_254, %dma_start3A_255] : memref<10000x128xf32, #tpu.memory_space<hbm>> -> memref<10000x128xf32, #tpu.memory_space<hbm>>
      tpu.enqueue_indirect_dma source(%dma_start3A_256 : memref<10000x128xf32, #tpu.memory_space<hbm>>) target(%arg11 : memref<128x128xf32, #tpu.memory_space<vmem>>) offsets(%dma_start3A_253 : memref<128xi32, #tpu.memory_space<vmem>>) semaphore(%arg18 : memref<!tpu.dma_semaphore, #tpu.memory_space<semaphore_mem>>)
      %dma_wait3A_257 = arith.constant 0 : i32
      %dma_wait3A_258 = arith.constant 0 : i32
      %dma_wait3A_259 = tpu.memref_slice %arg6[%dma_wait3A_257, %dma_wait3A_258] : memref<1x128xi32, #tpu.memory_space<vmem>> -> memref<1x128xi32, #tpu.memory_space<vmem>>
      %dma_wait3A_260 = tpu.memref_squeeze %dma_wait3A_259 : memref<1x128xi32, #tpu.memory_space<vmem>> -> memref<128xi32, #tpu.memory_space<vmem>>
      %dma_wait3A_261 = arith.constant 0 : i32
      %dma_wait3A_262 = arith.constant 0 : i32
      %dma_wait3A_263 = tpu.memref_slice %arg3[%dma_wait3A_261, %dma_wait3A_262] : memref<10000x128xf32, #tpu.memory_space<hbm>> -> memref<10000x128xf32, #tpu.memory_space<hbm>>
      tpu.wait_indirect_dma semaphore(%arg17 : memref<!tpu.dma_semaphore, #tpu.memory_space<semaphore_mem>>) src(%dma_wait3A_263 : memref<10000x128xf32, #tpu.memory_space<hbm>>) dst(%arg10 : memref<128x128xf32, #tpu.memory_space<vmem>>)
      %add3A_264 = arith.constant 2 : i32
      %add3A_265 = arith.addi %add3A_233, %add3A_264 : i32
      %mul3A_266 = arith.constant 128 : i32
      %mul3A_267 = arith.muli %add3A_265, %mul3A_266 : i32
      %add3A_268 = arith.addi %mul3A_2, %mul3A_267 : i32
      %multiple_of3A_269 = tpu.assume_multiple %add3A_268, 8 : i32
      %dma_start3A_270 = arith.constant 0 : i32
      %dma_start3A_271 = tpu.memref_slice %arg2[%dma_start3A_270, %multiple_of3A_269] : memref<2x320000xi32, #tpu.memory_space<hbm>> -> memref<1x128xi32, #tpu.memory_space<hbm>>
      %dma_start3A_272 = arith.constant 0 : i32
      %dma_start3A_273 = tpu.memref_slice %arg2[%dma_start3A_272, %multiple_of3A_269] : memref<2x320000xi32, #tpu.memory_space<hbm>> -> memref<1x128xi32, #tpu.memory_space<hbm>>
      tpu.enqueue_dma source(%dma_start3A_273 : memref<1x128xi32, #tpu.memory_space<hbm>>) target(%arg6 : memref<1x128xi32, #tpu.memory_space<vmem>>) target_semaphore(%arg13 : memref<!tpu.dma_semaphore, #tpu.memory_space<semaphore_mem>>)
      %dma_wait3A_274 = arith.constant 1 : i32
      %dma_wait3A_275 = arith.constant 0 : i32
      %dma_wait3A_276 = tpu.memref_slice %arg2[%dma_wait3A_274, %dma_wait3A_275] : memref<2x320000xi32, #tpu.memory_space<hbm>> -> memref<1x128xi32, #tpu.memory_space<hbm>>
      %dma_wait3A_277 = arith.constant 1 : i32
      %dma_wait3A_278 = arith.constant 0 : i32
      %dma_wait3A_279 = tpu.memref_slice %arg2[%dma_wait3A_277, %dma_wait3A_278] : memref<2x320000xi32, #tpu.memory_space<hbm>> -> memref<1x128xi32, #tpu.memory_space<hbm>>
      tpu.wait_dma2 semaphore(%arg15 : memref<!tpu.dma_semaphore, #tpu.memory_space<semaphore_mem>>) src(%dma_wait3A_279 : memref<1x128xi32, #tpu.memory_space<hbm>>) dst(%arg8 : memref<1x128xi32, #tpu.memory_space<vmem>>)
      %run_scoped3A_280 = arith.constant 0 : i32
      "tpu.region"() ({
        %run_scoped3A_330 = tpu.sem_alloc : memref<!tpu.dma_semaphore, #tpu.memory_space<semaphore_mem>>
        %dma_start3A_331 = arith.constant 0 : i32
        %dma_start3A_332 = tpu.memref_slice %arg8[%run_scoped3A_280, %dma_start3A_331] : memref<1x128xi32, #tpu.memory_space<vmem>> -> memref<1x128xi32, #tpu.memory_space<vmem>>
        %dma_start3A_333 = tpu.memref_squeeze %dma_start3A_332 : memref<1x128xi32, #tpu.memory_space<vmem>> -> memref<128xi32, #tpu.memory_space<vmem>>
        %dma_start3A_334 = arith.constant 0 : i32
        %dma_start3A_335 = arith.constant 0 : i32
        %dma_start3A_336 = tpu.memref_slice %arg12[%dma_start3A_334, %dma_start3A_335] : memref<10000x128xf32, #tpu.memory_space<vmem_shared>> -> memref<10000x128xf32, #tpu.memory_space<vmem_shared>>
        tpu.enqueue_indirect_dma source(%arg10 : memref<128x128xf32, #tpu.memory_space<vmem>>) target(%dma_start3A_336 : memref<10000x128xf32, #tpu.memory_space<vmem_shared>>) offsets(%dma_start3A_333 : memref<128xi32, #tpu.memory_space<vmem>>) semaphore(%run_scoped3A_330 : memref<!tpu.dma_semaphore, #tpu.memory_space<semaphore_mem>>) {add = true}
        %dma_wait3A_337 = arith.constant 0 : i32
        %dma_wait3A_338 = tpu.memref_slice %arg8[%run_scoped3A_280, %dma_wait3A_337] : memref<1x128xi32, #tpu.memory_space<vmem>> -> memref<1x128xi32, #tpu.memory_space<vmem>>
        %dma_wait3A_339 = tpu.memref_squeeze %dma_wait3A_338 : memref<1x128xi32, #tpu.memory_space<vmem>> -> memref<128xi32, #tpu.memory_space<vmem>>
        %dma_wait3A_340 = arith.constant 0 : i32
        %dma_wait3A_341 = arith.constant 0 : i32
        %dma_wait3A_342 = tpu.memref_slice %arg12[%dma_wait3A_340, %dma_wait3A_341] : memref<10000x128xf32, #tpu.memory_space<vmem_shared>> -> memref<10000x128xf32, #tpu.memory_space<vmem_shared>>
        tpu.wait_indirect_dma semaphore(%run_scoped3A_330 : memref<!tpu.dma_semaphore, #tpu.memory_space<semaphore_mem>>) src(%arg10 : memref<128x128xf32, #tpu.memory_space<vmem>>) dst(%dma_wait3A_342 : memref<10000x128xf32, #tpu.memory_space<vmem_shared>>)
        tpu.yield
      }) : () -> ()
      %add3A_281 = arith.constant 1 : i32
      %add3A_282 = arith.addi %add3A_233, %add3A_281 : i32
      %add3A_283 = arith.constant 1 : i32
      %add3A_284 = arith.addi %add3A_282, %add3A_283 : i32
      %mul3A_285 = arith.constant 128 : i32
      %mul3A_286 = arith.muli %add3A_284, %mul3A_285 : i32
      %add3A_287 = arith.addi %mul3A_2, %mul3A_286 : i32
      %multiple_of3A_288 = tpu.assume_multiple %add3A_287, 8 : i32
      %dma_start3A_289 = arith.constant 1 : i32
      %dma_start3A_290 = tpu.memref_slice %arg2[%dma_start3A_289, %multiple_of3A_288] : memref<2x320000xi32, #tpu.memory_space<hbm>> -> memref<1x128xi32, #tpu.memory_space<hbm>>
      %dma_start3A_291 = arith.constant 1 : i32
      %dma_start3A_292 = tpu.memref_slice %arg2[%dma_start3A_291, %multiple_of3A_288] : memref<2x320000xi32, #tpu.memory_space<hbm>> -> memref<1x128xi32, #tpu.memory_space<hbm>>
      tpu.enqueue_dma source(%dma_start3A_292 : memref<1x128xi32, #tpu.memory_space<hbm>>) target(%arg8 : memref<1x128xi32, #tpu.memory_space<vmem>>) target_semaphore(%arg15 : memref<!tpu.dma_semaphore, #tpu.memory_space<semaphore_mem>>)
      %dma_wait3A_293 = arith.constant 0 : i32
      %dma_wait3A_294 = arith.constant 0 : i32
      %dma_wait3A_295 = tpu.memref_slice %arg2[%dma_wait3A_293, %dma_wait3A_294] : memref<2x320000xi32, #tpu.memory_space<hbm>> -> memref<1x128xi32, #tpu.memory_space<hbm>>
      %dma_wait3A_296 = arith.constant 0 : i32
      %dma_wait3A_297 = arith.constant 0 : i32
      %dma_wait3A_298 = tpu.memref_slice %arg2[%dma_wait3A_296, %dma_wait3A_297] : memref<2x320000xi32, #tpu.memory_space<hbm>> -> memref<1x128xi32, #tpu.memory_space<hbm>>
      tpu.wait_dma2 semaphore(%arg13 : memref<!tpu.dma_semaphore, #tpu.memory_space<semaphore_mem>>) src(%dma_wait3A_298 : memref<1x128xi32, #tpu.memory_space<hbm>>) dst(%arg6 : memref<1x128xi32, #tpu.memory_space<vmem>>)
      %dma_start3A_299 = arith.constant 0 : i32
      %dma_start3A_300 = arith.constant 0 : i32
      %dma_start3A_301 = tpu.memref_slice %arg6[%dma_start3A_299, %dma_start3A_300] : memref<1x128xi32, #tpu.memory_space<vmem>> -> memref<1x128xi32, #tpu.memory_space<vmem>>
      %dma_start3A_302 = tpu.memref_squeeze %dma_start3A_301 : memref<1x128xi32, #tpu.memory_space<vmem>> -> memref<128xi32, #tpu.memory_space<vmem>>
      %dma_start3A_303 = arith.constant 0 : i32
      %dma_start3A_304 = arith.constant 0 : i32
      %dma_start3A_305 = tpu.memref_slice %arg3[%dma_start3A_303, %dma_start3A_304] : memref<10000x128xf32, #tpu.memory_space<hbm>> -> memref<10000x128xf32, #tpu.memory_space<hbm>>
      tpu.enqueue_indirect_dma source(%dma_start3A_305 : memref<10000x128xf32, #tpu.memory_space<hbm>>) target(%arg10 : memref<128x128xf32, #tpu.memory_space<vmem>>) offsets(%dma_start3A_302 : memref<128xi32, #tpu.memory_space<vmem>>) semaphore(%arg17 : memref<!tpu.dma_semaphore, #tpu.memory_space<semaphore_mem>>)
      %dma_wait3A_306 = arith.constant 0 : i32
      %dma_wait3A_307 = arith.constant 0 : i32
      %dma_wait3A_308 = tpu.memref_slice %arg7[%dma_wait3A_306, %dma_wait3A_307] : memref<1x128xi32, #tpu.memory_space<vmem>> -> memref<1x128xi32, #tpu.memory_space<vmem>>
      %dma_wait3A_309 = tpu.memref_squeeze %dma_wait3A_308 : memref<1x128xi32, #tpu.memory_space<vmem>> -> memref<128xi32, #tpu.memory_space<vmem>>
      %dma_wait3A_310 = arith.constant 0 : i32
      %dma_wait3A_311 = arith.constant 0 : i32
      %dma_wait3A_312 = tpu.memref_slice %arg3[%dma_wait3A_310, %dma_wait3A_311] : memref<10000x128xf32, #tpu.memory_space<hbm>> -> memref<10000x128xf32, #tpu.memory_space<hbm>>
      tpu.wait_indirect_dma semaphore(%arg18 : memref<!tpu.dma_semaphore, #tpu.memory_space<semaphore_mem>>) src(%dma_wait3A_312 : memref<10000x128xf32, #tpu.memory_space<hbm>>) dst(%arg11 : memref<128x128xf32, #tpu.memory_space<vmem>>)
      %add3A_313 = arith.constant 2 : i32
      %add3A_314 = arith.addi %add3A_282, %add3A_313 : i32
      %mul3A_315 = arith.constant 128 : i32
      %mul3A_316 = arith.muli %add3A_314, %mul3A_315 : i32
      %add3A_317 = arith.addi %mul3A_2, %mul3A_316 : i32
      %multiple_of3A_318 = tpu.assume_multiple %add3A_317, 8 : i32
      %dma_start3A_319 = arith.constant 0 : i32
      %dma_start3A_320 = tpu.memref_slice %arg2[%dma_start3A_319, %multiple_of3A_318] : memref<2x320000xi32, #tpu.memory_space<hbm>> -> memref<1x128xi32, #tpu.memory_space<hbm>>
      %dma_start3A_321 = arith.constant 0 : i32
      %dma_start3A_322 = tpu.memref_slice %arg2[%dma_start3A_321, %multiple_of3A_318] : memref<2x320000xi32, #tpu.memory_space<hbm>> -> memref<1x128xi32, #tpu.memory_space<hbm>>
      tpu.enqueue_dma source(%dma_start3A_322 : memref<1x128xi32, #tpu.memory_space<hbm>>) target(%arg7 : memref<1x128xi32, #tpu.memory_space<vmem>>) target_semaphore(%arg14 : memref<!tpu.dma_semaphore, #tpu.memory_space<semaphore_mem>>)
      %dma_wait3A_323 = arith.constant 1 : i32
      %dma_wait3A_324 = arith.constant 0 : i32
      %dma_wait3A_325 = tpu.memref_slice %arg2[%dma_wait3A_323, %dma_wait3A_324] : memref<2x320000xi32, #tpu.memory_space<hbm>> -> memref<1x128xi32, #tpu.memory_space<hbm>>
      %dma_wait3A_326 = arith.constant 1 : i32
      %dma_wait3A_327 = arith.constant 0 : i32
      %dma_wait3A_328 = tpu.memref_slice %arg2[%dma_wait3A_326, %dma_wait3A_327] : memref<2x320000xi32, #tpu.memory_space<hbm>> -> memref<1x128xi32, #tpu.memory_space<hbm>>
      tpu.wait_dma2 semaphore(%arg16 : memref<!tpu.dma_semaphore, #tpu.memory_space<semaphore_mem>>) src(%dma_wait3A_328 : memref<1x128xi32, #tpu.memory_space<hbm>>) dst(%arg9 : memref<1x128xi32, #tpu.memory_space<vmem>>)
      %run_scoped3A_329 = arith.constant 0 : i32
      "tpu.region"() ({
        %run_scoped3A_330 = tpu.sem_alloc : memref<!tpu.dma_semaphore, #tpu.memory_space<semaphore_mem>>
        %dma_start3A_331 = arith.constant 0 : i32
        %dma_start3A_332 = tpu.memref_slice %arg9[%run_scoped3A_329, %dma_start3A_331] : memref<1x128xi32, #tpu.memory_space<vmem>> -> memref<1x128xi32, #tpu.memory_space<vmem>>
        %dma_start3A_333 = tpu.memref_squeeze %dma_start3A_332 : memref<1x128xi32, #tpu.memory_space<vmem>> -> memref<128xi32, #tpu.memory_space<vmem>>
        %dma_start3A_334 = arith.constant 0 : i32
        %dma_start3A_335 = arith.constant 0 : i32
        %dma_start3A_336 = tpu.memref_slice %arg12[%dma_start3A_334, %dma_start3A_335] : memref<10000x128xf32, #tpu.memory_space<vmem_shared>> -> memref<10000x128xf32, #tpu.memory_space<vmem_shared>>
        tpu.enqueue_indirect_dma source(%arg11 : memref<128x128xf32, #tpu.memory_space<vmem>>) target(%dma_start3A_336 : memref<10000x128xf32, #tpu.memory_space<vmem_shared>>) offsets(%dma_start3A_333 : memref<128xi32, #tpu.memory_space<vmem>>) semaphore(%run_scoped3A_330 : memref<!tpu.dma_semaphore, #tpu.memory_space<semaphore_mem>>) {add = true}
        %dma_wait3A_337 = arith.constant 0 : i32
        %dma_wait3A_338 = tpu.memref_slice %arg9[%run_scoped3A_329, %dma_wait3A_337] : memref<1x128xi32, #tpu.memory_space<vmem>> -> memref<1x128xi32, #tpu.memory_space<vmem>>
        %dma_wait3A_339 = tpu.memref_squeeze %dma_wait3A_338 : memref<1x128xi32, #tpu.memory_space<vmem>> -> memref<128xi32, #tpu.memory_space<vmem>>
        %dma_wait3A_340 = arith.constant 0 : i32
        %dma_wait3A_341 = arith.constant 0 : i32
        %dma_wait3A_342 = tpu.memref_slice %arg12[%dma_wait3A_340, %dma_wait3A_341] : memref<10000x128xf32, #tpu.memory_space<vmem_shared>> -> memref<10000x128xf32, #tpu.memory_space<vmem_shared>>
        tpu.wait_indirect_dma semaphore(%run_scoped3A_330 : memref<!tpu.dma_semaphore, #tpu.memory_space<semaphore_mem>>) src(%arg11 : memref<128x128xf32, #tpu.memory_space<vmem>>) dst(%dma_wait3A_342 : memref<10000x128xf32, #tpu.memory_space<vmem_shared>>)
        tpu.yield
      }) : () -> ()
    }
    %while3A_163 = arith.constant 1 : i32
    scf.for %while3A_229 = %while3A_161 to %while3A_157 step %while3A_163  : i32 {
      %mul3A_230 = arith.constant 2 : i32
      %mul3A_231 = arith.muli %mul3A_230, %while3A_229 : i32
      %add3A_232 = arith.constant 2 : i32
      %add3A_233 = arith.addi %mul3A_231, %add3A_232 : i32
      %add3A_234 = arith.constant 1 : i32
      %add3A_235 = arith.addi %add3A_233, %add3A_234 : i32
      %mul3A_236 = arith.constant 128 : i32
      %mul3A_237 = arith.muli %add3A_235, %mul3A_236 : i32
      %add3A_238 = arith.addi %mul3A_2, %mul3A_237 : i32
      %multiple_of3A_239 = tpu.assume_multiple %add3A_238, 8 : i32
      %dma_start3A_240 = arith.constant 1 : i32
      %dma_start3A_241 = tpu.memref_slice %arg2[%dma_start3A_240, %multiple_of3A_239] : memref<2x320000xi32, #tpu.memory_space<hbm>> -> memref<1x128xi32, #tpu.memory_space<hbm>>
      %dma_start3A_242 = arith.constant 1 : i32
      %dma_start3A_243 = tpu.memref_slice %arg2[%dma_start3A_242, %multiple_of3A_239] : memref<2x320000xi32, #tpu.memory_space<hbm>> -> memref<1x128xi32, #tpu.memory_space<hbm>>
      tpu.enqueue_dma source(%dma_start3A_243 : memref<1x128xi32, #tpu.memory_space<hbm>>) target(%arg9 : memref<1x128xi32, #tpu.memory_space<vmem>>) target_semaphore(%arg16 : memref<!tpu.dma_semaphore, #tpu.memory_space<semaphore_mem>>)
      %dma_wait3A_244 = arith.constant 0 : i32
      %dma_wait3A_245 = arith.constant 0 : i32
      %dma_wait3A_246 = tpu.memref_slice %arg2[%dma_wait3A_244, %dma_wait3A_245] : memref<2x320000xi32, #tpu.memory_space<hbm>> -> memref<1x128xi32, #tpu.memory_space<hbm>>
      %dma_wait3A_247 = arith.constant 0 : i32
      %dma_wait3A_248 = arith.constant 0 : i32
      %dma_wait3A_249 = tpu.memref_slice %arg2[%dma_wait3A_247, %dma_wait3A_248] : memref<2x320000xi32, #tpu.memory_space<hbm>> -> memref<1x128xi32, #tpu.memory_space<hbm>>
      tpu.wait_dma2 semaphore(%arg14 : memref<!tpu.dma_semaphore, #tpu.memory_space<semaphore_mem>>) src(%dma_wait3A_249 : memref<1x128xi32, #tpu.memory_space<hbm>>) dst(%arg7 : memref<1x128xi32, #tpu.memory_space<vmem>>)
      %dma_start3A_250 = arith.constant 0 : i32
      %dma_start3A_251 = arith.constant 0 : i32
      %dma_start3A_252 = tpu.memref_slice %arg7[%dma_start3A_250, %dma_start3A_251] : memref<1x128xi32, #tpu.memory_space<vmem>> -> memref<1x128xi32, #tpu.memory_space<vmem>>
      %dma_start3A_253 = tpu.memref_squeeze %dma_start3A_252 : memref<1x128xi32, #tpu.memory_space<vmem>> -> memref<128xi32, #tpu.memory_space<vmem>>
      %dma_start3A_254 = arith.constant 0 : i32
      %dma_start3A_255 = arith.constant 0 : i32
      %dma_start3A_256 = tpu.memref_slice %arg3[%dma_start3A_254, %dma_start3A_255] : memref<10000x128xf32, #tpu.memory_space<hbm>> -> memref<10000x128xf32, #tpu.memory_space<hbm>>
      tpu.enqueue_indirect_dma source(%dma_start3A_256 : memref<10000x128xf32, #tpu.memory_space<hbm>>) target(%arg11 : memref<128x128xf32, #tpu.memory_space<vmem>>) offsets(%dma_start3A_253 : memref<128xi32, #tpu.memory_space<vmem>>) semaphore(%arg18 : memref<!tpu.dma_semaphore, #tpu.memory_space<semaphore_mem>>)
      %dma_wait3A_257 = arith.constant 0 : i32
      %dma_wait3A_258 = arith.constant 0 : i32
      %dma_wait3A_259 = tpu.memref_slice %arg6[%dma_wait3A_257, %dma_wait3A_258] : memref<1x128xi32, #tpu.memory_space<vmem>> -> memref<1x128xi32, #tpu.memory_space<vmem>>
      %dma_wait3A_260 = tpu.memref_squeeze %dma_wait3A_259 : memref<1x128xi32, #tpu.memory_space<vmem>> -> memref<128xi32, #tpu.memory_space<vmem>>
      %dma_wait3A_261 = arith.constant 0 : i32
      %dma_wait3A_262 = arith.constant 0 : i32
      %dma_wait3A_263 = tpu.memref_slice %arg3[%dma_wait3A_261, %dma_wait3A_262] : memref<10000x128xf32, #tpu.memory_space<hbm>> -> memref<10000x128xf32, #tpu.memory_space<hbm>>
      tpu.wait_indirect_dma semaphore(%arg17 : memref<!tpu.dma_semaphore, #tpu.memory_space<semaphore_mem>>) src(%dma_wait3A_263 : memref<10000x128xf32, #tpu.memory_space<hbm>>) dst(%arg10 : memref<128x128xf32, #tpu.memory_space<vmem>>)
      %add3A_264 = arith.constant 2 : i32
      %add3A_265 = arith.addi %add3A_233, %add3A_264 : i32
      %mul3A_266 = arith.constant 128 : i32
      %mul3A_267 = arith.muli %add3A_265, %mul3A_266 : i32
      %add3A_268 = arith.addi %mul3A_2, %mul3A_267 : i32
      %multiple_of3A_269 = tpu.assume_multiple %add3A_268, 8 : i32
      %dma_start3A_270 = arith.constant 0 : i32
      %dma_start3A_271 = tpu.memref_slice %arg2[%dma_start3A_270, %multiple_of3A_269] : memref<2x320000xi32, #tpu.memory_space<hbm>> -> memref<1x128xi32, #tpu.memory_space<hbm>>
      %dma_start3A_272 = arith.constant 0 : i32
      %dma_start3A_273 = tpu.memref_slice %arg2[%dma_start3A_272, %multiple_of3A_269] : memref<2x320000xi32, #tpu.memory_space<hbm>> -> memref<1x128xi32, #tpu.memory_space<hbm>>
      tpu.enqueue_dma source(%dma_start3A_273 : memref<1x128xi32, #tpu.memory_space<hbm>>) target(%arg6 : memref<1x128xi32, #tpu.memory_space<vmem>>) target_semaphore(%arg13 : memref<!tpu.dma_semaphore, #tpu.memory_space<semaphore_mem>>)
      %dma_wait3A_274 = arith.constant 1 : i32
      %dma_wait3A_275 = arith.constant 0 : i32
      %dma_wait3A_276 = tpu.memref_slice %arg2[%dma_wait3A_274, %dma_wait3A_275] : memref<2x320000xi32, #tpu.memory_space<hbm>> -> memref<1x128xi32, #tpu.memory_space<hbm>>
      %dma_wait3A_277 = arith.constant 1 : i32
      %dma_wait3A_278 = arith.constant 0 : i32
      %dma_wait3A_279 = tpu.memref_slice %arg2[%dma_wait3A_277, %dma_wait3A_278] : memref<2x320000xi32, #tpu.memory_space<hbm>> -> memref<1x128xi32, #tpu.memory_space<hbm>>
      tpu.wait_dma2 semaphore(%arg15 : memref<!tpu.dma_semaphore, #tpu.memory_space<semaphore_mem>>) src(%dma_wait3A_279 : memref<1x128xi32, #tpu.memory_space<hbm>>) dst(%arg8 : memref<1x128xi32, #tpu.memory_space<vmem>>)
      %run_scoped3A_280 = arith.constant 0 : i32
      "tpu.region"() ({
        %run_scoped3A_330 = tpu.sem_alloc : memref<!tpu.dma_semaphore, #tpu.memory_space<semaphore_mem>>
        %dma_start3A_331 = arith.constant 0 : i32
        %dma_start3A_332 = tpu.memref_slice %arg8[%run_scoped3A_280, %dma_start3A_331] : memref<1x128xi32, #tpu.memory_space<vmem>> -> memref<1x128xi32, #tpu.memory_space<vmem>>
        %dma_start3A_333 = tpu.memref_squeeze %dma_start3A_332 : memref<1x128xi32, #tpu.memory_space<vmem>> -> memref<128xi32, #tpu.memory_space<vmem>>
        %dma_start3A_334 = arith.constant 0 : i32
        %dma_start3A_335 = arith.constant 0 : i32
        %dma_start3A_336 = tpu.memref_slice %arg12[%dma_start3A_334, %dma_start3A_335] : memref<10000x128xf32, #tpu.memory_space<vmem_shared>> -> memref<10000x128xf32, #tpu.memory_space<vmem_shared>>
        tpu.enqueue_indirect_dma source(%arg10 : memref<128x128xf32, #tpu.memory_space<vmem>>) target(%dma_start3A_336 : memref<10000x128xf32, #tpu.memory_space<vmem_shared>>) offsets(%dma_start3A_333 : memref<128xi32, #tpu.memory_space<vmem>>) semaphore(%run_scoped3A_330 : memref<!tpu.dma_semaphore, #tpu.memory_space<semaphore_mem>>) {add = true}
        %dma_wait3A_337 = arith.constant 0 : i32
        %dma_wait3A_338 = tpu.memref_slice %arg8[%run_scoped3A_280, %dma_wait3A_337] : memref<1x128xi32, #tpu.memory_space<vmem>> -> memref<1x128xi32, #tpu.memory_space<vmem>>
        %dma_wait3A_339 = tpu.memref_squeeze %dma_wait3A_338 : memref<1x128xi32, #tpu.memory_space<vmem>> -> memref<128xi32, #tpu.memory_space<vmem>>
        %dma_wait3A_340 = arith.constant 0 : i32
        %dma_wait3A_341 = arith.constant 0 : i32
        %dma_wait3A_342 = tpu.memref_slice %arg12[%dma_wait3A_340, %dma_wait3A_341] : memref<10000x128xf32, #tpu.memory_space<vmem_shared>> -> memref<10000x128xf32, #tpu.memory_space<vmem_shared>>
        tpu.wait_indirect_dma semaphore(%run_scoped3A_330 : memref<!tpu.dma_semaphore, #tpu.memory_space<semaphore_mem>>) src(%arg10 : memref<128x128xf32, #tpu.memory_space<vmem>>) dst(%dma_wait3A_342 : memref<10000x128xf32, #tpu.memory_space<vmem_shared>>)
        tpu.yield
      }) : () -> ()
      %add3A_281 = arith.constant 1 : i32
      %add3A_282 = arith.addi %add3A_233, %add3A_281 : i32
      %add3A_283 = arith.constant 1 : i32
      %add3A_284 = arith.addi %add3A_282, %add3A_283 : i32
      %mul3A_285 = arith.constant 128 : i32
      %mul3A_286 = arith.muli %add3A_284, %mul3A_285 : i32
      %add3A_287 = arith.addi %mul3A_2, %mul3A_286 : i32
      %multiple_of3A_288 = tpu.assume_multiple %add3A_287, 8 : i32
      %dma_start3A_289 = arith.constant 1 : i32
      %dma_start3A_290 = tpu.memref_slice %arg2[%dma_start3A_289, %multiple_of3A_288] : memref<2x320000xi32, #tpu.memory_space<hbm>> -> memref<1x128xi32, #tpu.memory_space<hbm>>
      %dma_start3A_291 = arith.constant 1 : i32
      %dma_start3A_292 = tpu.memref_slice %arg2[%dma_start3A_291, %multiple_of3A_288] : memref<2x320000xi32, #tpu.memory_space<hbm>> -> memref<1x128xi32, #tpu.memory_space<hbm>>
      tpu.enqueue_dma source(%dma_start3A_292 : memref<1x128xi32, #tpu.memory_space<hbm>>) target(%arg8 : memref<1x128xi32, #tpu.memory_space<vmem>>) target_semaphore(%arg15 : memref<!tpu.dma_semaphore, #tpu.memory_space<semaphore_mem>>)
      %dma_wait3A_293 = arith.constant 0 : i32
      %dma_wait3A_294 = arith.constant 0 : i32
      %dma_wait3A_295 = tpu.memref_slice %arg2[%dma_wait3A_293, %dma_wait3A_294] : memref<2x320000xi32, #tpu.memory_space<hbm>> -> memref<1x128xi32, #tpu.memory_space<hbm>>
      %dma_wait3A_296 = arith.constant 0 : i32
      %dma_wait3A_297 = arith.constant 0 : i32
      %dma_wait3A_298 = tpu.memref_slice %arg2[%dma_wait3A_296, %dma_wait3A_297] : memref<2x320000xi32, #tpu.memory_space<hbm>> -> memref<1x128xi32, #tpu.memory_space<hbm>>
      tpu.wait_dma2 semaphore(%arg13 : memref<!tpu.dma_semaphore, #tpu.memory_space<semaphore_mem>>) src(%dma_wait3A_298 : memref<1x128xi32, #tpu.memory_space<hbm>>) dst(%arg6 : memref<1x128xi32, #tpu.memory_space<vmem>>)
      %dma_start3A_299 = arith.constant 0 : i32
      %dma_start3A_300 = arith.constant 0 : i32
      %dma_start3A_301 = tpu.memref_slice %arg6[%dma_start3A_299, %dma_start3A_300] : memref<1x128xi32, #tpu.memory_space<vmem>> -> memref<1x128xi32, #tpu.memory_space<vmem>>
      %dma_start3A_302 = tpu.memref_squeeze %dma_start3A_301 : memref<1x128xi32, #tpu.memory_space<vmem>> -> memref<128xi32, #tpu.memory_space<vmem>>
      %dma_start3A_303 = arith.constant 0 : i32
      %dma_start3A_304 = arith.constant 0 : i32
      %dma_start3A_305 = tpu.memref_slice %arg3[%dma_start3A_303, %dma_start3A_304] : memref<10000x128xf32, #tpu.memory_space<hbm>> -> memref<10000x128xf32, #tpu.memory_space<hbm>>
      tpu.enqueue_indirect_dma source(%dma_start3A_305 : memref<10000x128xf32, #tpu.memory_space<hbm>>) target(%arg10 : memref<128x128xf32, #tpu.memory_space<vmem>>) offsets(%dma_start3A_302 : memref<128xi32, #tpu.memory_space<vmem>>) semaphore(%arg17 : memref<!tpu.dma_semaphore, #tpu.memory_space<semaphore_mem>>)
      %dma_wait3A_306 = arith.constant 0 : i32
      %dma_wait3A_307 = arith.constant 0 : i32
      %dma_wait3A_308 = tpu.memref_slice %arg7[%dma_wait3A_306, %dma_wait3A_307] : memref<1x128xi32, #tpu.memory_space<vmem>> -> memref<1x128xi32, #tpu.memory_space<vmem>>
      %dma_wait3A_309 = tpu.memref_squeeze %dma_wait3A_308 : memref<1x128xi32, #tpu.memory_space<vmem>> -> memref<128xi32, #tpu.memory_space<vmem>>
      %dma_wait3A_310 = arith.constant 0 : i32
      %dma_wait3A_311 = arith.constant 0 : i32
      %dma_wait3A_312 = tpu.memref_slice %arg3[%dma_wait3A_310, %dma_wait3A_311] : memref<10000x128xf32, #tpu.memory_space<hbm>> -> memref<10000x128xf32, #tpu.memory_space<hbm>>
      tpu.wait_indirect_dma semaphore(%arg18 : memref<!tpu.dma_semaphore, #tpu.memory_space<semaphore_mem>>) src(%dma_wait3A_312 : memref<10000x128xf32, #tpu.memory_space<hbm>>) dst(%arg11 : memref<128x128xf32, #tpu.memory_space<vmem>>)
      %add3A_313 = arith.constant 2 : i32
      %add3A_314 = arith.addi %add3A_282, %add3A_313 : i32
      %mul3A_315 = arith.constant 128 : i32
      %mul3A_316 = arith.muli %add3A_314, %mul3A_315 : i32
      %add3A_317 = arith.addi %mul3A_2, %mul3A_316 : i32
      %multiple_of3A_318 = tpu.assume_multiple %add3A_317, 8 : i32
      %dma_start3A_319 = arith.constant 0 : i32
      %dma_start3A_320 = tpu.memref_slice %arg2[%dma_start3A_319, %multiple_of3A_318] : memref<2x320000xi32, #tpu.memory_space<hbm>> -> memref<1x128xi32, #tpu.memory_space<hbm>>
      %dma_start3A_321 = arith.constant 0 : i32
      %dma_start3A_322 = tpu.memref_slice %arg2[%dma_start3A_321, %multiple_of3A_318] : memref<2x320000xi32, #tpu.memory_space<hbm>> -> memref<1x128xi32, #tpu.memory_space<hbm>>
      tpu.enqueue_dma source(%dma_start3A_322 : memref<1x128xi32, #tpu.memory_space<hbm>>) target(%arg7 : memref<1x128xi32, #tpu.memory_space<vmem>>) target_semaphore(%arg14 : memref<!tpu.dma_semaphore, #tpu.memory_space<semaphore_mem>>)
      %dma_wait3A_323 = arith.constant 1 : i32
      %dma_wait3A_324 = arith.constant 0 : i32
      %dma_wait3A_325 = tpu.memref_slice %arg2[%dma_wait3A_323, %dma_wait3A_324] : memref<2x320000xi32, #tpu.memory_space<hbm>> -> memref<1x128xi32, #tpu.memory_space<hbm>>
      %dma_wait3A_326 = arith.constant 1 : i32
      %dma_wait3A_327 = arith.constant 0 : i32
      %dma_wait3A_328 = tpu.memref_slice %arg2[%dma_wait3A_326, %dma_wait3A_327] : memref<2x320000xi32, #tpu.memory_space<hbm>> -> memref<1x128xi32, #tpu.memory_space<hbm>>
      tpu.wait_dma2 semaphore(%arg16 : memref<!tpu.dma_semaphore, #tpu.memory_space<semaphore_mem>>) src(%dma_wait3A_328 : memref<1x128xi32, #tpu.memory_space<hbm>>) dst(%arg9 : memref<1x128xi32, #tpu.memory_space<vmem>>)
      %run_scoped3A_329 = arith.constant 0 : i32
      "tpu.region"() ({
        %run_scoped3A_330 = tpu.sem_alloc : memref<!tpu.dma_semaphore, #tpu.memory_space<semaphore_mem>>
        %dma_start3A_331 = arith.constant 0 : i32
        %dma_start3A_332 = tpu.memref_slice %arg9[%run_scoped3A_329, %dma_start3A_331] : memref<1x128xi32, #tpu.memory_space<vmem>> -> memref<1x128xi32, #tpu.memory_space<vmem>>
        %dma_start3A_333 = tpu.memref_squeeze %dma_start3A_332 : memref<1x128xi32, #tpu.memory_space<vmem>> -> memref<128xi32, #tpu.memory_space<vmem>>
        %dma_start3A_334 = arith.constant 0 : i32
        %dma_start3A_335 = arith.constant 0 : i32
        %dma_start3A_336 = tpu.memref_slice %arg12[%dma_start3A_334, %dma_start3A_335] : memref<10000x128xf32, #tpu.memory_space<vmem_shared>> -> memref<10000x128xf32, #tpu.memory_space<vmem_shared>>
        tpu.enqueue_indirect_dma source(%arg11 : memref<128x128xf32, #tpu.memory_space<vmem>>) target(%dma_start3A_336 : memref<10000x128xf32, #tpu.memory_space<vmem_shared>>) offsets(%dma_start3A_333 : memref<128xi32, #tpu.memory_space<vmem>>) semaphore(%run_scoped3A_330 : memref<!tpu.dma_semaphore, #tpu.memory_space<semaphore_mem>>) {add = true}
        %dma_wait3A_337 = arith.constant 0 : i32
        %dma_wait3A_338 = tpu.memref_slice %arg9[%run_scoped3A_329, %dma_wait3A_337] : memref<1x128xi32, #tpu.memory_space<vmem>> -> memref<1x128xi32, #tpu.memory_space<vmem>>
        %dma_wait3A_339 = tpu.memref_squeeze %dma_wait3A_338 : memref<1x128xi32, #tpu.memory_space<vmem>> -> memref<128xi32, #tpu.memory_space<vmem>>
        %dma_wait3A_340 = arith.constant 0 : i32
        %dma_wait3A_341 = arith.constant 0 : i32
        %dma_wait3A_342 = tpu.memref_slice %arg12[%dma_wait3A_340, %dma_wait3A_341] : memref<10000x128xf32, #tpu.memory_space<vmem_shared>> -> memref<10000x128xf32, #tpu.memory_space<vmem_shared>>
        tpu.wait_indirect_dma semaphore(%run_scoped3A_330 : memref<!tpu.dma_semaphore, #tpu.memory_space<semaphore_mem>>) src(%arg11 : memref<128x128xf32, #tpu.memory_space<vmem>>) dst(%dma_wait3A_342 : memref<10000x128xf32, #tpu.memory_space<vmem_shared>>)
        tpu.yield
      }) : () -> ()
    }
    %sub3A_164 = arith.constant 2 : i32
    %sub3A_165 = arith.subi %select_n3A, %sub3A_164 : i32
    %add3A_166 = arith.constant 1 : i32
    %add3A_167 = arith.addi %sub3A_165, %add3A_166 : i32
    %mul3A_168 = arith.constant 128 : i32
    %mul3A_169 = arith.muli %add3A_167, %mul3A_168 : i32
    %add3A_170 = arith.addi %mul3A_2, %mul3A_169 : i32
    %multiple_of3A_171 = tpu.assume_multiple %add3A_170, 8 : i32
    %dma_start3A_172 = arith.constant 1 : i32
    %dma_start3A_173 = tpu.memref_slice %arg2[%dma_start3A_172, %multiple_of3A_171] : memref<2x320000xi32, #tpu.memory_space<hbm>> -> memref<1x128xi32, #tpu.memory_space<hbm>>
    %dma_start3A_174 = arith.constant 1 : i32
    %dma_start3A_175 = tpu.memref_slice %arg2[%dma_start3A_174, %multiple_of3A_171] : memref<2x320000xi32, #tpu.memory_space<hbm>> -> memref<1x128xi32, #tpu.memory_space<hbm>>
    tpu.enqueue_dma source(%dma_start3A_175 : memref<1x128xi32, #tpu.memory_space<hbm>>) target(%arg9 : memref<1x128xi32, #tpu.memory_space<vmem>>) target_semaphore(%arg16 : memref<!tpu.dma_semaphore, #tpu.memory_space<semaphore_mem>>)
    %dma_wait3A_176 = arith.constant 0 : i32
    %dma_wait3A_177 = arith.constant 0 : i32
    %dma_wait3A_178 = tpu.memref_slice %arg2[%dma_wait3A_176, %dma_wait3A_177] : memref<2x320000xi32, #tpu.memory_space<hbm>> -> memref<1x128xi32, #tpu.memory_space<hbm>>
    %dma_wait3A_179 = arith.constant 0 : i32
    %dma_wait3A_180 = arith.constant 0 : i32
    %dma_wait3A_181 = tpu.memref_slice %arg2[%dma_wait3A_179, %dma_wait3A_180] : memref<2x320000xi32, #tpu.memory_space<hbm>> -> memref<1x128xi32, #tpu.memory_space<hbm>>
    tpu.wait_dma2 semaphore(%arg14 : memref<!tpu.dma_semaphore, #tpu.memory_space<semaphore_mem>>) src(%dma_wait3A_181 : memref<1x128xi32, #tpu.memory_space<hbm>>) dst(%arg7 : memref<1x128xi32, #tpu.memory_space<vmem>>)
    %dma_start3A_182 = arith.constant 0 : i32
    %dma_start3A_183 = arith.constant 0 : i32
    %dma_start3A_184 = tpu.memref_slice %arg7[%dma_start3A_182, %dma_start3A_183] : memref<1x128xi32, #tpu.memory_space<vmem>> -> memref<1x128xi32, #tpu.memory_space<vmem>>
    %dma_start3A_185 = tpu.memref_squeeze %dma_start3A_184 : memref<1x128xi32, #tpu.memory_space<vmem>> -> memref<128xi32, #tpu.memory_space<vmem>>
    %dma_start3A_186 = arith.constant 0 : i32
    %dma_start3A_187 = arith.constant 0 : i32
    %dma_start3A_188 = tpu.memref_slice %arg3[%dma_start3A_186, %dma_start3A_187] : memref<10000x128xf32, #tpu.memory_space<hbm>> -> memref<10000x128xf32, #tpu.memory_space<hbm>>
    tpu.enqueue_indirect_dma source(%dma_start3A_188 : memref<10000x128xf32, #tpu.memory_space<hbm>>) target(%arg11 : memref<128x128xf32, #tpu.memory_space<vmem>>) offsets(%dma_start3A_185 : memref<128xi32, #tpu.memory_space<vmem>>) semaphore(%arg18 : memref<!tpu.dma_semaphore, #tpu.memory_space<semaphore_mem>>)
    %dma_wait3A_189 = arith.constant 0 : i32
    %dma_wait3A_190 = arith.constant 0 : i32
    %dma_wait3A_191 = tpu.memref_slice %arg6[%dma_wait3A_189, %dma_wait3A_190] : memref<1x128xi32, #tpu.memory_space<vmem>> -> memref<1x128xi32, #tpu.memory_space<vmem>>
    %dma_wait3A_192 = tpu.memref_squeeze %dma_wait3A_191 : memref<1x128xi32, #tpu.memory_space<vmem>> -> memref<128xi32, #tpu.memory_space<vmem>>
    %dma_wait3A_193 = arith.constant 0 : i32
    %dma_wait3A_194 = arith.constant 0 : i32
    %dma_wait3A_195 = tpu.memref_slice %arg3[%dma_wait3A_193, %dma_wait3A_194] : memref<10000x128xf32, #tpu.memory_space<hbm>> -> memref<10000x128xf32, #tpu.memory_space<hbm>>
    tpu.wait_indirect_dma semaphore(%arg17 : memref<!tpu.dma_semaphore, #tpu.memory_space<semaphore_mem>>) src(%dma_wait3A_195 : memref<10000x128xf32, #tpu.memory_space<hbm>>) dst(%arg10 : memref<128x128xf32, #tpu.memory_space<vmem>>)
    %dma_wait3A_196 = arith.constant 1 : i32
    %dma_wait3A_197 = arith.constant 0 : i32
    %dma_wait3A_198 = tpu.memref_slice %arg2[%dma_wait3A_196, %dma_wait3A_197] : memref<2x320000xi32, #tpu.memory_space<hbm>> -> memref<1x128xi32, #tpu.memory_space<hbm>>
    %dma_wait3A_199 = arith.constant 1 : i32
    %dma_wait3A_200 = arith.constant 0 : i32
    %dma_wait3A_201 = tpu.memref_slice %arg2[%dma_wait3A_199, %dma_wait3A_200] : memref<2x320000xi32, #tpu.memory_space<hbm>> -> memref<1x128xi32, #tpu.memory_space<hbm>>
    tpu.wait_dma2 semaphore(%arg15 : memref<!tpu.dma_semaphore, #tpu.memory_space<semaphore_mem>>) src(%dma_wait3A_201 : memref<1x128xi32, #tpu.memory_space<hbm>>) dst(%arg8 : memref<1x128xi32, #tpu.memory_space<vmem>>)
    %run_scoped3A_202 = arith.constant 0 : i32
    "tpu.region"() ({
      %run_scoped3A_229 = tpu.sem_alloc : memref<!tpu.dma_semaphore, #tpu.memory_space<semaphore_mem>>
      %dma_start3A_230 = arith.constant 0 : i32
      %dma_start3A_231 = tpu.memref_slice %arg8[%run_scoped3A_202, %dma_start3A_230] : memref<1x128xi32, #tpu.memory_space<vmem>> -> memref<1x128xi32, #tpu.memory_space<vmem>>
      %dma_start3A_232 = tpu.memref_squeeze %dma_start3A_231 : memref<1x128xi32, #tpu.memory_space<vmem>> -> memref<128xi32, #tpu.memory_space<vmem>>
      %dma_start3A_233 = arith.constant 0 : i32
      %dma_start3A_234 = arith.constant 0 : i32
      %dma_start3A_235 = tpu.memref_slice %arg12[%dma_start3A_233, %dma_start3A_234] : memref<10000x128xf32, #tpu.memory_space<vmem_shared>> -> memref<10000x128xf32, #tpu.memory_space<vmem_shared>>
      tpu.enqueue_indirect_dma source(%arg10 : memref<128x128xf32, #tpu.memory_space<vmem>>) target(%dma_start3A_235 : memref<10000x128xf32, #tpu.memory_space<vmem_shared>>) offsets(%dma_start3A_232 : memref<128xi32, #tpu.memory_space<vmem>>) semaphore(%run_scoped3A_229 : memref<!tpu.dma_semaphore, #tpu.memory_space<semaphore_mem>>) {add = true}
      %dma_wait3A_236 = arith.constant 0 : i32
      %dma_wait3A_237 = tpu.memref_slice %arg8[%run_scoped3A_202, %dma_wait3A_236] : memref<1x128xi32, #tpu.memory_space<vmem>> -> memref<1x128xi32, #tpu.memory_space<vmem>>
      %dma_wait3A_238 = tpu.memref_squeeze %dma_wait3A_237 : memref<1x128xi32, #tpu.memory_space<vmem>> -> memref<128xi32, #tpu.memory_space<vmem>>
      %dma_wait3A_239 = arith.constant 0 : i32
      %dma_wait3A_240 = arith.constant 0 : i32
      %dma_wait3A_241 = tpu.memref_slice %arg12[%dma_wait3A_239, %dma_wait3A_240] : memref<10000x128xf32, #tpu.memory_space<vmem_shared>> -> memref<10000x128xf32, #tpu.memory_space<vmem_shared>>
      tpu.wait_indirect_dma semaphore(%run_scoped3A_229 : memref<!tpu.dma_semaphore, #tpu.memory_space<semaphore_mem>>) src(%arg10 : memref<128x128xf32, #tpu.memory_space<vmem>>) dst(%dma_wait3A_241 : memref<10000x128xf32, #tpu.memory_space<vmem_shared>>)
      tpu.yield
    }) : () -> ()
    %add3A_203 = arith.constant 1 : i32
    %add3A_204 = arith.addi %sub3A_165, %add3A_203 : i32
    %dma_wait3A_205 = arith.constant 0 : i32
    %dma_wait3A_206 = arith.constant 0 : i32
    %dma_wait3A_207 = tpu.memref_slice %arg7[%dma_wait3A_205, %dma_wait3A_206] : memref<1x128xi32, #tpu.memory_space<vmem>> -> memref<1x128xi32, #tpu.memory_space<vmem>>
    %dma_wait3A_208 = tpu.memref_squeeze %dma_wait3A_207 : memref<1x128xi32, #tpu.memory_space<vmem>> -> memref<128xi32, #tpu.memory_space<vmem>>
    %dma_wait3A_209 = arith.constant 0 : i32
    %dma_wait3A_210 = arith.constant 0 : i32
    %dma_wait3A_211 = tpu.memref_slice %arg3[%dma_wait3A_209, %dma_wait3A_210] : memref<10000x128xf32, #tpu.memory_space<hbm>> -> memref<10000x128xf32, #tpu.memory_space<hbm>>
    tpu.wait_indirect_dma semaphore(%arg18 : memref<!tpu.dma_semaphore, #tpu.memory_space<semaphore_mem>>) src(%dma_wait3A_211 : memref<10000x128xf32, #tpu.memory_space<hbm>>) dst(%arg11 : memref<128x128xf32, #tpu.memory_space<vmem>>)
    %dma_wait3A_212 = arith.constant 1 : i32
    %dma_wait3A_213 = arith.constant 0 : i32
    %dma_wait3A_214 = tpu.memref_slice %arg2[%dma_wait3A_212, %dma_wait3A_213] : memref<2x320000xi32, #tpu.memory_space<hbm>> -> memref<1x128xi32, #tpu.memory_space<hbm>>
    %dma_wait3A_215 = arith.constant 1 : i32
    %dma_wait3A_216 = arith.constant 0 : i32
    %dma_wait3A_217 = tpu.memref_slice %arg2[%dma_wait3A_215, %dma_wait3A_216] : memref<2x320000xi32, #tpu.memory_space<hbm>> -> memref<1x128xi32, #tpu.memory_space<hbm>>
    tpu.wait_dma2 semaphore(%arg16 : memref<!tpu.dma_semaphore, #tpu.memory_space<semaphore_mem>>) src(%dma_wait3A_217 : memref<1x128xi32, #tpu.memory_space<hbm>>) dst(%arg9 : memref<1x128xi32, #tpu.memory_space<vmem>>)
    %run_scoped3A_218 = arith.constant 0 : i32
    "tpu.region"() ({
      %run_scoped3A_229 = tpu.sem_alloc : memref<!tpu.dma_semaphore, #tpu.memory_space<semaphore_mem>>
      %dma_start3A_230 = arith.constant 0 : i32
      %dma_start3A_231 = tpu.memref_slice %arg9[%run_scoped3A_218, %dma_start3A_230] : memref<1x128xi32, #tpu.memory_space<vmem>> -> memref<1x128xi32, #tpu.memory_space<vmem>>
      %dma_start3A_232 = tpu.memref_squeeze %dma_start3A_231 : memref<1x128xi32, #tpu.memory_space<vmem>> -> memref<128xi32, #tpu.memory_space<vmem>>
      %dma_start3A_233 = arith.constant 0 : i32
      %dma_start3A_234 = arith.constant 0 : i32
      %dma_start3A_235 = tpu.memref_slice %arg12[%dma_start3A_233, %dma_start3A_234] : memref<10000x128xf32, #tpu.memory_space<vmem_shared>> -> memref<10000x128xf32, #tpu.memory_space<vmem_shared>>
      tpu.enqueue_indirect_dma source(%arg11 : memref<128x128xf32, #tpu.memory_space<vmem>>) target(%dma_start3A_235 : memref<10000x128xf32, #tpu.memory_space<vmem_shared>>) offsets(%dma_start3A_232 : memref<128xi32, #tpu.memory_space<vmem>>) semaphore(%run_scoped3A_229 : memref<!tpu.dma_semaphore, #tpu.memory_space<semaphore_mem>>) {add = true}
      %dma_wait3A_236 = arith.constant 0 : i32
      %dma_wait3A_237 = tpu.memref_slice %arg9[%run_scoped3A_218, %dma_wait3A_236] : memref<1x128xi32, #tpu.memory_space<vmem>> -> memref<1x128xi32, #tpu.memory_space<vmem>>
      %dma_wait3A_238 = tpu.memref_squeeze %dma_wait3A_237 : memref<1x128xi32, #tpu.memory_space<vmem>> -> memref<128xi32, #tpu.memory_space<vmem>>
      %dma_wait3A_239 = arith.constant 0 : i32
      %dma_wait3A_240 = arith.constant 0 : i32
      %dma_wait3A_241 = tpu.memref_slice %arg12[%dma_wait3A_239, %dma_wait3A_240] : memref<10000x128xf32, #tpu.memory_space<vmem_shared>> -> memref<10000x128xf32, #tpu.memory_space<vmem_shared>>
      tpu.wait_indirect_dma semaphore(%run_scoped3A_229 : memref<!tpu.dma_semaphore, #tpu.memory_space<semaphore_mem>>) src(%arg11 : memref<128x128xf32, #tpu.memory_space<vmem>>) dst(%dma_wait3A_241 : memref<10000x128xf32, #tpu.memory_space<vmem_shared>>)
      tpu.yield
    }) : () -> ()
    %barrier3A_219 = arith.constant 0 : index
    tpu.barrier barrier_id(%barrier3A_219)
    %lt3A = arith.constant 15 : i32
    %lt3A_220 = arith.cmpi slt, %arg1, %lt3A : i32
    %convert_element_type3A_221 = arith.extui %lt3A_220 : i1 to i32
    %cond3A_222 = arith.constant 0 : i32
    %cond3A_223 = arith.cmpi ne, %convert_element_type3A_221, %cond3A_222 : i32
    scf.if %cond3A_223 {
      %mul3A_229 = arith.constant 640 : i32
      %mul3A_230 = arith.muli %arg1, %mul3A_229 : i32
      %mul3A_231 = arith.constant 640 : i32
      %mul3A_232 = arith.muli %arg1, %mul3A_231 : i32
      "tpu.region"() ({
        %run_scoped3A_233 = tpu.sem_alloc : memref<!tpu.dma_semaphore, #tpu.memory_space<semaphore_mem>>
        %dma_start3A_234 = arith.constant 0 : i32
        %dma_start3A_235 = tpu.memref_slice %arg5[%arg0, %mul3A_232, %dma_start3A_234] : memref<2x10000x128xf32, #tpu.memory_space<hbm>> -> memref<1x640x128xf32, #tpu.memory_space<hbm>>
        %dma_start3A_236 = tpu.memref_squeeze %dma_start3A_235 : memref<1x640x128xf32, #tpu.memory_space<hbm>> -> memref<640x128xf32, #tpu.memory_space<hbm>>
        %dma_start3A_237 = arith.constant 0 : i32
        %dma_start3A_238 = tpu.memref_slice %arg12[%mul3A_230, %dma_start3A_237] : memref<10000x128xf32, #tpu.memory_space<vmem_shared>> -> memref<640x128xf32, #tpu.memory_space<vmem_shared>>
        tpu.enqueue_dma source(%dma_start3A_238 : memref<640x128xf32, #tpu.memory_space<vmem_shared>>) target(%dma_start3A_236 : memref<640x128xf32, #tpu.memory_space<hbm>>) target_semaphore(%run_scoped3A_233 : memref<!tpu.dma_semaphore, #tpu.memory_space<semaphore_mem>>)
        %dma_wait3A_239 = arith.constant 0 : i32
        %dma_wait3A_240 = tpu.memref_slice %arg5[%arg0, %mul3A_232, %dma_wait3A_239] : memref<2x10000x128xf32, #tpu.memory_space<hbm>> -> memref<1x640x128xf32, #tpu.memory_space<hbm>>
        %dma_wait3A_241 = tpu.memref_squeeze %dma_wait3A_240 : memref<1x640x128xf32, #tpu.memory_space<hbm>> -> memref<640x128xf32, #tpu.memory_space<hbm>>
        %dma_wait3A_242 = arith.constant 0 : i32
        %dma_wait3A_243 = tpu.memref_slice %arg12[%mul3A_230, %dma_wait3A_242] : memref<10000x128xf32, #tpu.memory_space<vmem_shared>> -> memref<640x128xf32, #tpu.memory_space<vmem_shared>>
        tpu.wait_dma2 semaphore(%run_scoped3A_233 : memref<!tpu.dma_semaphore, #tpu.memory_space<semaphore_mem>>) src(%dma_wait3A_243 : memref<640x128xf32, #tpu.memory_space<vmem_shared>>) dst(%dma_wait3A_241 : memref<640x128xf32, #tpu.memory_space<hbm>>)
        tpu.yield
      }) : () -> ()
    } else {
    }
    %eq3A_224 = arith.constant 15 : i32
    %eq3A_225 = arith.cmpi eq, %arg1, %eq3A_224 : i32
    %convert_element_type3A_226 = arith.extui %eq3A_225 : i1 to i32
    %cond3A_227 = arith.constant 0 : i32
    %cond3A_228 = arith.cmpi ne, %convert_element_type3A_226, %cond3A_227 : i32
    scf.if %cond3A_228 {
      "tpu.region"() ({
        %run_scoped3A_229 = tpu.sem_alloc : memref<!tpu.dma_semaphore, #tpu.memory_space<semaphore_mem>>
        %dma_start3A_230 = arith.constant 9600 : i32
        %dma_start3A_231 = arith.constant 0 : i32
        %dma_start3A_232 = tpu.memref_slice %arg5[%arg0, %dma_start3A_230, %dma_start3A_231] : memref<2x10000x128xf32, #tpu.memory_space<hbm>> -> memref<1x400x128xf32, #tpu.memory_space<hbm>>
        %dma_start3A_233 = tpu.memref_squeeze %dma_start3A_232 : memref<1x400x128xf32, #tpu.memory_space<hbm>> -> memref<400x128xf32, #tpu.memory_space<hbm>>
        %dma_start3A_234 = arith.constant 9600 : i32
        %dma_start3A_235 = arith.constant 0 : i32
        %dma_start3A_236 = tpu.memref_slice %arg12[%dma_start3A_234, %dma_start3A_235] : memref<10000x128xf32, #tpu.memory_space<vmem_shared>> -> memref<400x128xf32, #tpu.memory_space<vmem_shared>>
        tpu.enqueue_dma source(%dma_start3A_236 : memref<400x128xf32, #tpu.memory_space<vmem_shared>>) target(%dma_start3A_233 : memref<400x128xf32, #tpu.memory_space<hbm>>) target_semaphore(%run_scoped3A_229 : memref<!tpu.dma_semaphore, #tpu.memory_space<semaphore_mem>>)
        %dma_wait3A_237 = arith.constant 9600 : i32
        %dma_wait3A_238 = arith.constant 0 : i32
        %dma_wait3A_239 = tpu.memref_slice %arg5[%arg0, %dma_wait3A_237, %dma_wait3A_238] : memref<2x10000x128xf32, #tpu.memory_space<hbm>> -> memref<1x400x128xf32, #tpu.memory_space<hbm>>
        %dma_wait3A_240 = tpu.memref_squeeze %dma_wait3A_239 : memref<1x400x128xf32, #tpu.memory_space<hbm>> -> memref<400x128xf32, #tpu.memory_space<hbm>>
        %dma_wait3A_241 = arith.constant 9600 : i32
        %dma_wait3A_242 = arith.constant 0 : i32
        %dma_wait3A_243 = tpu.memref_slice %arg12[%dma_wait3A_241, %dma_wait3A_242] : memref<10000x128xf32, #tpu.memory_space<vmem_shared>> -> memref<400x128xf32, #tpu.memory_space<vmem_shared>>
        tpu.wait_dma2 semaphore(%run_scoped3A_229 : memref<!tpu.dma_semaphore, #tpu.memory_space<semaphore_mem>>) src(%dma_wait3A_243 : memref<400x128xf32, #tpu.memory_space<vmem_shared>>) dst(%dma_wait3A_240 : memref<400x128xf32, #tpu.memory_space<hbm>>)
        tpu.yield
      }) : () -> ()
    } else {
    }
    return
  }
}

module attributes {stable_mosaic.version = 14 : i64} {
  func.func @_mm_body(%arg0: i32, %arg1: memref<2x2000x128xf32, #tpu.memory_space<vmem>>, %arg2: memref<128x128xf32, #tpu.memory_space<vmem>>, %arg3: memref<1x128xf32, #tpu.memory_space<vmem>>, %arg4: memref<2000x128xf32, #tpu.memory_space<vmem>>) attributes {dimension_semantics = [#tpu.dimension_semantics<arbitrary>], iteration_bounds = array<i64: 5>, scalar_prefetch = 0 : i64, scratch_operands = 0 : i64, tpu.core_type = #tpu.core_type<tc>, window_params = [{transform_indices = @transform_0, window_bounds = array<i64: 2, 2000, 128>}, {pipeline_mode = #tpu.pipeline_mode<synchronous>, transform_indices = @transform_1, window_bounds = array<i64: 128, 128>}, {pipeline_mode = #tpu.pipeline_mode<synchronous>, transform_indices = @transform_2, window_bounds = array<i64: 1, 128>}, {transform_indices = @transform_3, window_bounds = array<i64: 2000, 128>}]} {
    %get3A = arith.constant 0 : index
    %get3A_0 = arith.constant 0 : index
    %get3A_1 = arith.constant 0 : index
    %get3A_2 = vector.load %arg1[%get3A, %get3A_0, %get3A_1] : memref<2x2000x128xf32, #tpu.memory_space<vmem>>, vector<1x2000x128xf32>
    %get3A_3 = vector.shape_cast %get3A_2 : vector<1x2000x128xf32> to vector<2000x128xf32>
    %get3A_4 = arith.constant 1 : index
    %get3A_5 = arith.constant 0 : index
    %get3A_6 = arith.constant 0 : index
    %get3A_7 = vector.load %arg1[%get3A_4, %get3A_5, %get3A_6] : memref<2x2000x128xf32, #tpu.memory_space<vmem>>, vector<1x2000x128xf32>
    %get3A_8 = vector.shape_cast %get3A_7 : vector<1x2000x128xf32> to vector<2000x128xf32>
    %add3A = arith.addf %get3A_3, %get3A_8 : vector<2000x128xf32>
    %get3A_9 = arith.constant 0 : index
    %get3A_10 = arith.constant 0 : index
    %get3A_11 = vector.load %arg2[%get3A_9, %get3A_10] : memref<128x128xf32, #tpu.memory_space<vmem>>, vector<128x128xf32>
    %dot_general3A = arith.constant dense<0.000000e+00> : vector<2000x128xf32>
    %dot_general3A_12 = tpu.matmul %add3A, %get3A_11, %dot_general3A {dimension_numbers = #tpu.dot_dimension_numbers<[1], [1], [0], [0], [0, 0, 1, 0], [], []>, transpose_lhs_hint = false} : vector<2000x128xf32>, vector<128x128xf32>, vector<2000x128xf32> -> vector<2000x128xf32>
    %get3A_13 = arith.constant 0 : index
    %get3A_14 = arith.constant 0 : index
    %get3A_15 = vector.load %arg3[%get3A_13, %get3A_14] : memref<1x128xf32, #tpu.memory_space<vmem>>, vector<1x128xf32>
    %add3A_16 = vector.broadcast %get3A_15 : vector<1x128xf32> to vector<2000x128xf32>
    %add3A_17 = arith.addf %dot_general3A_12, %add3A_16 : vector<2000x128xf32>
    %swap3A = arith.constant 0 : index
    %swap3A_18 = arith.constant 0 : index
    %swap3A_19 = vector.load %arg4[%swap3A, %swap3A_18] : memref<2000x128xf32, #tpu.memory_space<vmem>>, vector<2000x128xf32>
    tpu.vector_store %arg4[%swap3A, %swap3A_18], %add3A_17 {strides = array<i32>} : memref<2000x128xf32, #tpu.memory_space<vmem>>, vector<2000x128xf32>,
    return
  }
  func.func @transform_0(%arg0: i32) -> (i32, i32, i32) {
    %c0_i32 = arith.constant 0 : i32
    %c0_i32_0 = arith.constant 0 : i32
    %c0_i32_1 = arith.constant 0 : i32
    return %c0_i32, %arg0, %c0_i32_0 : i32, i32, i32
  }
  func.func @transform_1(%arg0: i32) -> (i32, i32) {
    %c0_i32 = arith.constant 0 : i32
    %c0_i32_0 = arith.constant 0 : i32
    %c0_i32_1 = arith.constant 0 : i32
    return %c0_i32, %c0_i32_0 : i32, i32
  }
  func.func @transform_2(%arg0: i32) -> (i32, i32) {
    %c0_i32 = arith.constant 0 : i32
    %c0_i32_0 = arith.constant 0 : i32
    %c0_i32_1 = arith.constant 0 : i32
    return %c0_i32, %c0_i32_0 : i32, i32
  }
  func.func @transform_3(%arg0: i32) -> (i32, i32) {
    %c0_i32 = arith.constant 0 : i32
    %c0_i32_0 = arith.constant 0 : i32
    return %arg0, %c0_i32 : i32, i32
  }
}

</mosaic_0001>

<sc_bundles>
// kernel: kernel.4.cloned.1.call-start
scs
__scs_entry_jumppad:
0x0: {  	(pc) =	sbr.rel $0x88, $3  }
0x1: {  	(tag) =	ssettag $0x0;
	lr =	simm.s32 $0x1  }
0x2: {  	[smem:$0x3F9D] =	sst lr;
	_ =	strace $0xD0000000  }
0x3: {  	_ = 	snop  }
0x4: {  	_ = 	snop  }
0x5: {  	_ = 	snop  }
0x6: {  	_ = 	snop  }
0x7: {  	_ = 	snop  }
__scs_overlays_trampoline_lowered:
0x8: {  	[smem:$0x3FAC] =	sst s0  }
0x9: {  	[smem:$0x3FAD] =	sst s1  }
0xa: {  	[smem:$0x3FAE] =	sst s2  }
0xb: {  	[smem:$0x3FAF] =	sst s3  }
0xc: {  	[smem:$0x3FB0] =	sst s4  }
0xd: {  	[smem:$0x3FB1] =	sst s5  }
0xe: {  	[smem:$0x3FB2] =	sst s6  }
0xf: {  	[smem:$0x3FB3] =	sst s7  }
0x10: {  	[smem:$0x3FB4] =	sst s8  }
0x11: {  	[smem:$0x3FB5] =	sst s9;
	s0 =	simm.s32 @!p0 $0x0  }
0x12: {  	s1 =	sld [smem:$0x3F9B];
	s0 =	simm.s32 @p0 $0x1  }
0x13: {  	[smem:$0x3FB6] =	sst s0;
	s0 =	simm.s32 @!p1 $0x0  }
0x14: {  	s2 =	sld [smem:$0x3F9A];
	s0 =	simm.s32 @p1 $0x1  }
0x15: {  	[smem:$0x3FB7] =	sst s0;
	s0 =	simm.s32 @!p2 $0x0  }
0x16: {  	s3 =	sld [smem:$0x3FDB];
	s0 =	simm.s32 @p2 $0x1  }
0x17: {  	s4 =	simm.s32 $0x1BF5;
	[smem:$0x3FB9] =	sst s0  }
0x18: {  	s0 =	sld [smem:$0x3F9C];
	_ =	swait.ge [sflag:s4], $0x0  }
0x19: {  	s7 =	sld [smem:$0x3F9D]  }
0x1a: {  	s8 =	sadd.s32 $0xFFFFE003, lr  }
0x1b: {  	s9 =	sadd.s32 $0xFFFFFEF7, lr;
	s5 =	simm.s32 $0xFFFFFFFF;
	p2 =	slt.u32 s8, $0xFFFFF086  }
0x1c: {  	p1 =	slt.u32 s9, $0xF7A;
	s5 =	simm.s32 @!p2 $0x0  }
0x1d: {  	s5 =	simm.s32 @p1 $0x1;
	p0 =	seq.s32 s7, s2  }
0x1e: {  	s7 =	smul.u32 @!p0 $0xF7A, s2;
	p2 =	seq.s32 @!p0 s5, $0x0  }
0x1f: {  	s9 =	smul.u32 $0xF7A, s1;
	s8 =	simm.s32 @!p0 $0x1BF5;
	p2 =	por !p2, p0  }
0x20: {  	[sflag:s8] =	ssyncset.s32 @!p0 $0xFFFFF086;
	s6 =	sadd.s32 @!p0 s3, s7;
	s7 =	simm.s32 @!p0 $0x108  }
0x21: {  	s3 =	sadd.s32 s3, s9;
	s6 =	sadd.s32 @!p0 $0x88, s6;
	s7 =	simm.s32 @p2 $0x1082  }
0x22: {  	[simem:s7], [sflag:s8] =	dma.local @!p0 [hbm:s6], $0xF7A  }
0x23: {  	s9 =	sor.u32 $0xD0000000, s2;
	s6 =	simm.s32 $0x108;
	_ =	swait.ge @!p0 [sflag:s8], $0x0  }
0x24: {  	s3 =	sadd.s32 $0x88, s3;
	s6 =	simm.s32 @!p1 $0x1082;
	[sflag:s4] =	ssyncset.s32 $0xFFFFF086  }
0x25: {  	[simem:s6], [sflag:s4] =	dma.local [hbm:s3], $0xF7A  }
0x26: {  	[smem:$0x3F9D] =	sst s1;
	(tag) =	ssettag s2;
	_ =	strace s9  }
0x27: {  	s1 =	sld [smem:$0x3FAD]  }
0x28: {  	s2 =	sld [smem:$0x3FAE]  }
0x29: {  	s4 =	sld [smem:$0x3FB0]  }
0x2a: {  	p0 =	seq.s32 s5, $0x0;
	s5 =	sld [smem:$0x3FB1]  }
0x2b: {  	s6 =	sld [smem:$0x3FB2]  }
0x2c: {  	s7 =	sld [smem:$0x3FB3]  }
0x2d: {  	s3 =	simm.s32 $0x108;
	s8 =	sld [smem:$0x3FB4]  }
0x2e: {  	s3 =	simm.s32 @!p0 $0x1082;
	s9 =	sld [smem:$0x3FB5]  }
0x2f: {  	lr =	sadd.s32 s0, s3;
	s0 =	sld [smem:$0x3FAC]  }
0x30: {  	s3 =	sld [smem:$0x3FAF]  }
0x31: {  	[smem:$0x3FB8] =	sst s10  }
0x32: {  	s10 =	sld [smem:$0x3FB6];
	_ =	sdelay $0x3  }
0x33: {  	p0 =	seq.s32 s10, $0x1;
	s10 =	sld [smem:$0x3FB8];
	_ =	sdelay $0x3  }
0x34: {  	[smem:$0x3FB8] =	sst s10  }
0x35: {  	s10 =	sld [smem:$0x3FB7];
	_ =	sdelay $0x3  }
0x36: {  	p1 =	seq.s32 s10, $0x1;
	s10 =	sld [smem:$0x3FB8];
	_ =	sdelay $0x3  }
0x37: {  	[smem:$0x3FB8] =	sst s10  }
0x38: {  	s10 =	sld [smem:$0x3FB9]  }
0x39: {  	_ = 	snop;
	(pc) =	sbr.ind lr, $3  }
0x3a: {  	_ = 	snop  }
0x3b: {  	_ = 	snop  }
0x3c: {  	p2 =	seq.s32 s10, $0x1;
	s10 =	sld [smem:$0x3FB8]  }
0x3d: {  	_ =	shalt  }
0x3e: {  	_ =	shalt  }
0x3f: {  	_ =	shalt  }
0x40: {  	_ =	shalt  }
0x41: {  	_ =	shalt  }
0x42: {  	_ =	shalt  }
0x43: {  	_ =	shalt  }
0x44: {  	_ =	shalt  }
0x45: {  	_ =	shalt  }
0x46: {  	_ =	shalt  }
0x47: {  	_ =	shalt  }
0x48: {  	_ =	shalt  }
0x49: {  	_ =	shalt  }
0x4a: {  	_ =	shalt  }
0x4b: {  	_ =	shalt  }
0x4c: {  	_ =	shalt  }
0x4d: {  	_ =	shalt  }
0x4e: {  	_ =	shalt  }
0x4f: {  	_ =	shalt  }
0x50: {  	_ =	shalt  }
0x51: {  	_ =	shalt  }
0x52: {  	_ =	shalt  }
0x53: {  	_ =	shalt  }
0x54: {  	_ =	shalt  }
0x55: {  	_ =	shalt  }
0x56: {  	_ =	shalt  }
0x57: {  	_ =	shalt  }
0x58: {  	_ =	shalt  }
0x59: {  	_ =	shalt  }
0x5a: {  	_ =	shalt  }
0x5b: {  	_ =	shalt  }
0x5c: {  	_ =	shalt  }
0x5d: {  	_ =	shalt  }
0x5e: {  	_ =	shalt  }
0x5f: {  	_ =	shalt  }
0x60: {  	_ =	shalt  }
0x61: {  	_ =	shalt  }
0x62: {  	_ =	shalt  }
0x63: {  	_ =	shalt  }
0x64: {  	_ =	shalt  }
0x65: {  	_ =	shalt  }
0x66: {  	_ =	shalt  }
0x67: {  	_ =	shalt  }
0x68: {  	_ =	shalt  }
0x69: {  	_ =	shalt  }
0x6a: {  	_ =	shalt  }
0x6b: {  	_ =	shalt  }
0x6c: {  	_ =	shalt  }
0x6d: {  	_ =	shalt  }
0x6e: {  	_ =	shalt  }
0x6f: {  	_ =	shalt  }
0x70: {  	_ =	shalt  }
0x71: {  	_ =	shalt  }
0x72: {  	_ =	shalt  }
0x73: {  	_ =	shalt  }
0x74: {  	_ =	shalt  }
0x75: {  	_ =	shalt  }
0x76: {  	_ =	shalt  }
0x77: {  	_ =	shalt  }
0x78: {  	_ =	shalt  }
0x79: {  	_ =	shalt  }
0x7a: {  	_ =	shalt  }
0x7b: {  	_ =	shalt  }
0x7c: {  	_ =	shalt  }
0x7d: {  	_ =	shalt  }
0x7e: {  	_ =	shalt  }
0x7f: {  	_ =	shalt  }
0x80: {  	_ =	shalt  }
0x81: {  	_ =	shalt  }
0x82: {  	_ =	shalt  }
0x83: {  	_ =	shalt  }
0x84: {  	_ =	shalt  }
0x85: {  	_ =	shalt  }
0x86: {  	_ =	shalt  }
0x87: {  	_ =	shalt  }
.Lfunc_end0:
.L_simem_size_0:
called_computation_lowered:
.L_overlay_start_0:
0x88: {  	s2 =	sld [smem:$0x3FD9]  }
0x89: {  	s3 =	sld [smem:$0x3FFE];
	_ =	sdelay $0x1  }
0x8a: {  	s1 =	srdreg.scid  }
0x8b: {  	s0 =	sand.u32 $0x1, s1  }
0x8c: {  	s17 =	sshll.u32 s0, $0xA;
	s2 =	sadd.s32 s3, s2  }
0x8d: {  	s2 =	sadd.s32 s2, s17  }
0x8e: {  	[smem:$0x3FC4] =	sst s2  }
0x8f: {  	_ = 	snop  }
0x90: {  	s2 =	sld [smem:$0x3FC9]  }
0x91: {  	s18 =	sld [smem:$0x3FC8]  }
0x92: {  	s4 =	sld [smem:$0x3FD0];
	(tm) =	ssettm $0x1  }
0x93: {  	s5 =	sld [smem:$0x3FFB];
	_ =	sdelay $0x3  }
0x94: {  	_ =	strace s5  }
0x95: {  	s5 =	sld [smem:$0x3FFC];
	_ =	sdelay $0x3  }
0x96: {  	_ =	strace s5  }
0x97: {  	s5 =	sld [smem:$0x3FFD];
	_ =	sdelay $0x3  }
0x98: {  	_ =	strace s5  }
0x99: {  	_ =	strace $0x8FFFFFFF  }
0x9a: {  	s19 =	sld [smem:$0x3FDB];
	_ =	sdelay $0x1  }
0x9b: {  	s6 =	simm.s32 $_scs_section_size  }
0x9c: {  	s7 =	simm.s32 $_size__tile_overlayer_lowered;
	s8 =	simm.s32 $_tile_overlayer_lowered  }
0x9d: {  	s22 =	simm.s32 $0x1BFF;
	s21 =	sshll.u32 s8, $0x1;
	s5 =	sadd.s32 s6, s19  }
0x9e: {  	s9 =	simm.s32 $0x0;
	s20 =	sshll.u32 s7, $0x1;
	s7 =	sadd.s32 s21, s5  }
0x9f: {  	[timem:s9], [sflag:s22] =	dma.local [hbm:s7], s20  }
0xa0: {  	_ =	swait.ge [sflag:s22], s20  }
0xa1: {  	s6 =	ssub.s32 $0x0, s20;
	[sflag:s22] =	ssyncset.done $0x0  }
0xa2: {  	[sflag:s22] =	ssyncadd.s32 s6;
	_ =	sdelay $0x1  }
0xa3: {  	s23 =	simm.s32 $0x1B8B  }
0xa4: {  	_ =	swait.ge [sflag:s23], $0x1  }
0xa5: {  	[sflag:s23] =	ssyncset.done $0x0  }
0xa6: {  	s25 =	simm.s32 $0x1B8E;
	s24 =	sld [smem:$0x3FFE];
	[sflag:s23] =	ssyncadd.s32 $0xFFFFFFFF  }
0xa7: {  	s26 =	simm.s32 $execute0_lowered;
	[smem:$0x3FD2] =	sst s25  }
0xa8: {  	s7 =	sshll.u32 s26, $0x1;
	_ =	strace $0x80000046;
	[dreg:$0x1] =	wrdreg $0xFFFFFFFF  }
0xa9: {  	s28 =	simm.s32 $_size_execute0_lowered;
	s5 =	sadd.s32 s5, s7;
	[dreg:$0x0] =	wrdreg $0x0  }
0xaa: {  	s7 =	sshll.u32 s28, $0x1;
	[dreg:$0x2] =	wrdreg s5  }
0xab: {  	[dreg:$0x3] =	wrdreg s7  }
0xac: {  	[dreg:$0x4] =	wrdreg $0xC0  }
0xad: {  	_ =	task [dreg:s9], $0x5FFFF  }
0xae: {  	[dreg:$0x1] =	wrdreg $0xFFFFFFFF  }
0xaf: {  	[dreg:$0x0] =	wrdreg $0x60  }
0xb0: {  	[dreg:$0x2] =	wrdreg s18  }
0xb1: {  	[dreg:$0x3] =	wrdreg s2  }
0xb2: {  	[dreg:$0x4] =	wrdreg s4  }
0xb3: {  	[dreg:$0x5] =	wrdreg s24  }
0xb4: {  	[dreg:$0x6] =	wrdreg $0x82000  }
0xb5: {  	[dreg:$0x7] =	wrdreg $0x9  }
0xb6: {  	_ =	task.clear_ibuf [dreg:s9], $0x8FFFF;
	_ =	strace $0x90000046  }
0xb7: {  	s29 =	simm.s32 $0x9;
	_ =	strace $0x80000048  }
0xb8: {  	_ =	swait.ge [sflag:s29], $0x1  }
0xb9: {  	[sflag:s29] =	ssyncadd.s32 $0xFFFFFFFF  }
0xba: {  	_ =	strace $0x90000048  }
0xbb: {  	_ =	sfence  }
0xbc: {  	s30 =	sld [smem:$0x0];
	_ =	sdelay $0x2  }
0xbd: {  	s31 =	sshll.u32 s1, $0xD;
	s1 =	sshrl.u32 s1, $0x2  }
0xbe: {  	s3 =	sand.u32 $0x4000, s31;
	s1 =	sadd.s32 s1, s30  }
0xbf: {  	s0 =	sor.u32 s3, s0;
	s1 =	sshll.u32 s1, $0x11  }
0xc0: {  	s0 =	sor.u32 s1, s0  }
0xc1: {  	s0 =	sadd.s32 $0x8F2B, s0  }
0xc2: {  	[sflag:s0] =	ssyncadd.remote.s32 $0x1  }
0xc3: {  	_ =	sfence.sel $0xFFFF  }
0xc4: {  	[dreg:$0x0] =	wrdreg $0xFFFFFFFF;
	(pc) =	sbr.abs _section_cstart, $3  }
0xc5: {  	[dreg:$0x1] =	wrdreg $0xFFFFFFFF  }
0xc6: {  	_ =	task.clear_ibuf [dreg:s9], $0x2FFFF;
	_ =	strace $0x9FFFFFFF  }
0xc7: {  	(tm) =	ssettm $0x7FFFFFFF  }
tec
execute0_lowered:
.L_overlay_start_1:
0x0: {  	(tag) =	ssettag $0x1  }
0x1: {  	s0 =	rddreg [dreg:$0x0]  }
0x2: {  	s1 =	rddreg [dreg:$0x1]  }
0x3: {  	s2 =	rddreg [dreg:$0x3];
	s3 =	srdreg.scid  }
0x4: {  	s18 =	stileid.u32;
	s4 =	rddreg [dreg:$0x4];
	s5 =	simm.s32 $0x0  }
0x5: {  	s13 =	simm.s32 $0x52;
	s11 =	simm.s32 $0x3;
	s28 =	simm.s32 $0x100  }
0x6: {  	s29 =	simm.s32 $0x180;
	s30 =	simm.s32 $0x1;
	s31 =	simm.s32 $0x200  }
0x7: {  	s3 =	sand.u32 $0x1, s3;
	s6 =	sshll.u32 s18, $0x1;
	s23 =	smul.u32 $0x50000, s18  }
0x8: {  	[smem:$0x7FF] =	sst s5;
	s2 =	sadd.s32 $0xA00, s2;
	s16 =	smul.u32 $0x14000, s18  }
0x9: {  	s14 =	sadd.s32 $0x10, s0;
	s24 =	smul.u32 $0x4E00, s18;
	s17 =	sadd.s32 $0x138000, s4  }
0xa: {  	p1 =	sne.s32 s18, $0xF;
	s6 =	sor.u32 s3, s6;
	s15 =	smul.u32 $0x138800, s3  }
0xb: {  	s7 =	ssub.s32 $0x2, s3;
	_ =	strace $0x80000047;
	s3 =	smul.u32 $0x2700, s3  }
0xc: {  	[dreg:$0x9] =	wrdreg s17;
	s8 =	smul.u32 $0x4E00, s6;
	s9 =	sshrl.u32 s7, $0x1  }
0xd: {  	s21 =	smul.u32 $0x2700, s6;
	p0 =	seq.s32 s6, $0x1F;
	s7 =	ssub.s32 s7, s9  }
0xe: {  	s13 =	simm.s32 @!p0 $0x4E;
	p0 =	seq.s32 s18, $0xF;
	s16 =	sadd.s32 s16, s15  }
0xf: {  	s3 =	sadd.s32 s3, s24;
	s17 =	sshrl.u32 s15, $0x3;
	s8 =	sshrl.u32 s8, $0x3  }
0x10: {  	s11 =	simm.s32 @!p0 $0x5;
	s25 =	sshll.u32 s13, $0x7;
	s16 =	sshrl.u32 s16, $0x3  }
0x11: {  	s6 =	sadd.s32 s0, s8;
	s8 =	sadd.s32 s8, s14;
	s9 =	sadd.s32 s25, s21  }
0x12: {  	s16 =	sadd.s32 s2, s16;
	s2 =	sadd.s32 s2, s17;
	s21 =	sadd.s32 $0x200, s3  }
0x13: {  	s25 =	sadd.s32 $0xFFFFFFFC, s13;
	s13 =	simm.s32 $0x0;
	[dreg:$0x7] =	wrdreg s8  }
0x14: {  	s10 =	sadd.s32 $0x20, s6;
	s22 =	sadd.s32 $0x30, s6;
	[dreg:$0xc] =	wrdreg s16  }
0x15: {  	s8 =	sshrl.u32 s23, $0x2;
	s19 =	sadd.s32 $0x40, s6;
	[dreg:$0x6] =	wrdreg s10  }
0x16: {  	s26 =	sadd.s32 $0x50, s6;
	s9 =	sshrl.u32 s9, $0x2;
	[dreg:$0x8] =	wrdreg s22  }
0x17: {  	s23 =	sadd.s32 $0x60, s6;
	s10 =	simm.s32 $0x3;
	[dreg:$0xa] =	wrdreg s19  }
0x18: {  	s12 =	sadd.s32 s8, s4;
	[dreg:$0xb] =	wrdreg s26;
	s19 =	sadd.s32 $0x280, s3  }
0x19: {  	s22 =	sshrl.u32 s21, $0x2;
	[dreg:$0xd] =	wrdreg s23;
	s24 =	sadd.s32 $0x1FFFFFE0, s9  }
0x1a: {  	s3 =	sadd.s32 $0x180, s3;
	s8 =	simm.s32 $0x6;
	s9 =	simm.s32 $0x4  }
0x1b: {  	s20 =	sshrl.u32 s19, $0x2;
	s19 =	sadd.s32 s22, s0;
	s26 =	sshrl.u32 s3, $0x2  }
0x1c: {  	s22 =	sadd.s32 $0x25800, s2;
	s3 =	simm.s32 $0x4200;
	s2 =	simm.s32 $0x7  }
0x1d: {  	s16 =	sadd.s32 s20, s0;
	s0 =	sand.u32 $0x1FFFFFE0, s24;
	s20 =	sshrl.u32 s25, $0x1  }
0x1e: {  	s23 =	sadd.s32 s26, s14;
	s24 =	smax.u32 s7, $0x1;
	s0 =	sadd.s32 s0, s14  }
0x1f: {  	s26 =	simm.s32 $0x80;
	[dreg:$0xe] =	wrdreg s0;
	s0 =	sadd.s32 $0x12C000, s4  }
0x20: {  	s7 =	simm.s32 $0x5;
	s25 =	sshrl.u32 @p0 s0, $0x3;
	s0 =	simm.s32 $0x2  }
.LBB2_1:
0x21: {  	[tilespmem:s5], [sflag:$0x1] =	stream.linear.gather [hbm4b:s6+s5], $0x80, $0x38;
	[tilespmem:$0x1BA80] =	vst v63  }
0x22: {  	s14 =	rddreg [dreg:$0x6]  }
0x23: {  	[tilespmem:s26], [sflag:$0x2] =	stream.linear.gather [hbm4b:s14+s5], $0x80, $0x38;
	[tilespmem:$0x1BA80] =	vst v63  }
0x24: {  	s17 =	rddreg [dreg:$0x7]  }
0x25: {  	[tilespmem:s28], [sflag:$0x3] =	stream.linear.gather [hbm4b:s17+s5], $0x80, $0x38;
	[tilespmem:$0x1BA80] =	vst v63  }
0x26: {  	s18 =	rddreg [dreg:$0x8]  }
0x27: {  	[tilespmem:s29], [sflag:$0x4] =	stream.linear.gather [hbm4b:s18+s5], $0x80, $0x38;
	[tilespmem:$0x1BA80] =	vst v63  }
0x28: {  	_ =	swait.ge [sflag:s30], $0x80  }
0x29: {  	[sflag:s30] =	ssyncset.done $0x0  }
0x2a: {  	[sflag:s30] =	ssyncadd.s32 $0xFFFFFF80  }
0x2b: {  	[tilespmem:s31], [sflag:$0x5] =	stream.indirect.gather [hbm4b:s1+s26], $0x80, s5, s26, $0xb8;
	[tilespmem:$0x1BA80] =	vst v63  }
0x2c: {  	s21 =	rddreg [dreg:$0x2]  }
0x2d: {  	[tilespmem:s3], [sflag:$0x7] =	stream.linear.gather [hbm4b:s21+s5], $0x4000, $0x38;
	[tilespmem:$0x1BA80] =	vst v63  }
0x2e: {  	p2 =	sne.s32 s11, $0x1;
	_ =	swait.ge [sflag:s2], $0x4000  }
.Ltmp0:
0x2f: {  	[sflag:s2] =	ssyncset.done $0x0;
	(pc) =	sbr.rel @!p2 .LBB2_3-.Ltmp0, $4  }
0x30: {  	[sflag:s2] =	ssyncadd.s32 $0xFFFFC000  }
0x31: {  	[spmem:s12] =	stream.linear.scatter [tilespmem:s3], [sflag:$0x7], $0x4000, $0x38;
	[tilespmem:$0x1BA80] =	vst v63  }
0x32: {  	_ =	swait.ge [sflag:s2], $0x4000  }
0x33: {  	s15 =	smov.u32 s12;
	s14 =	sadd.s32 $0xFFFFFFFF, s11;
	[sflag:s2] =	ssyncset.done $0x0  }
.LBB2_2:
0x34: {  	p2 =	sne.s32 s14, $0x1;
	[sflag:s2] =	ssyncadd.s32 $0xFFFFC000;
	s15 =	sadd.s32 $0x4000, s15  }
.Ltmp1:
0x35: {  	s14 =	sadd.s32 $0xFFFFFFFF, s14;
	(pc) =	sbr.rel @p2 .LBB2_2-.Ltmp1, $4  }
0x36: {  	_ = 	snop  }
0x37: {  	[spmem:s15] =	stream.linear.scatter [tilespmem:s3], [sflag:$0x7], $0x4000, $0x38;
	[tilespmem:$0x1BA80] =	vst v63  }
0x38: {  	_ =	swait.ge [sflag:s2], $0x4000  }
0x39: {  	[sflag:s2] =	ssyncset.done $0x0  }
.LBB2_3:
0x3a: {  	[sflag:s2] =	ssyncadd.s32 $0xFFFFC000;
	s14 =	simm.s32 @!p1 $0x4200;
	s15 =	rddreg [dreg:$0x9]  }
0x3b: {  	[spmem:s15] =	stream.linear.scatter @!p1 [tilespmem:s14], [sflag:$0x7], $0x800, $0x38;
	[tilespmem:$0x1BA80] =	vst v63  }
0x3c: {  	s14 =	simm.s32 @!p1 $0x7  }
0x3d: {  	_ =	swait.ge @!p1 [sflag:s14], $0x800  }
0x3e: {  	[sflag:s14] =	ssyncset.done @!p1 $0x0  }
0x3f: {  	[sflag:s14] =	ssyncadd.s32 @!p1 $0xFFFFF800  }
0x40: {  	[bflag:$0x0] =	sbarrier.arrive $0xFFFF  }
0x41: {  	_ =	swait.ge [sflag:s0], $0x80  }
0x42: {  	[sflag:s0] =	ssyncset.done $0x0  }
0x43: {  	[sflag:s0] =	ssyncadd.s32 $0xFFFFFF80  }
0x44: {  	[tilespmem:s3], [sflag:$0x6] =	stream.indirect.gather [hbm4b:s1+s26], $0x80, s26, s26, $0xb8;
	[tilespmem:$0x1BA80] =	vst v63  }
0x45: {  	_ =	swait.ge [sflag:s7], $0x4000  }
0x46: {  	[sflag:s7] =	ssyncset.done $0x0  }
0x47: {  	s15 =	rddreg [dreg:$0xa];
	[sflag:s7] =	ssyncadd.s32 $0xFFFFC000  }
0x48: {  	[tilespmem:s5], [sflag:$0x1] =	stream.linear.gather [hbm4b:s15+s5], $0x80, $0x38;
	[tilespmem:$0x1BA80] =	vst v63  }
0x49: {  	_ =	swait.ge [sflag:s10], $0x80  }
0x4a: {  	[sflag:s10] =	ssyncset.done $0x0  }
0x4b: {  	[sflag:s10] =	ssyncadd.s32 $0xFFFFFF80  }
0x4c: {  	[spmem:s4] =	stream.indirect.scatter.add.f32 [tilespmem:s31], [sflag:$0x7], $0x80, s28, s26, $0xb8;
	[tilespmem:$0x1BA80] =	vst v63  }
0x4d: {  	_ =	swait.ge [sflag:s2], $0x4000  }
0x4e: {  	[sflag:s2] =	ssyncset.done $0x0  }
0x4f: {  	s17 =	rddreg [dreg:$0xb];
	[sflag:s2] =	ssyncadd.s32 $0xFFFFC000  }
0x50: {  	[tilespmem:s28], [sflag:$0x3] =	stream.linear.gather [hbm4b:s17+s5], $0x80, $0x38;
	[tilespmem:$0x1BA80] =	vst v63  }
0x51: {  	_ =	swait.ge [sflag:s30], $0x80  }
0x52: {  	[sflag:s30] =	ssyncset.done $0x0  }
0x53: {  	[sflag:s30] =	ssyncadd.s32 $0xFFFFFF80  }
0x54: {  	[tilespmem:s31], [sflag:$0x5] =	stream.indirect.gather [hbm4b:s1+s26], $0x80, s5, s26, $0xb8;
	[tilespmem:$0x1BA80] =	vst v63  }
0x55: {  	_ =	swait.ge [sflag:s8], $0x4000  }
0x56: {  	[sflag:s8] =	ssyncset.done $0x0  }
0x57: {  	s18 =	rddreg [dreg:$0xd];
	[sflag:s8] =	ssyncadd.s32 $0xFFFFC000  }
0x58: {  	[tilespmem:s26], [sflag:$0x2] =	stream.linear.gather [hbm4b:s18+s5], $0x80, $0x38;
	[tilespmem:$0x1BA80] =	vst v63  }
0x59: {  	_ =	swait.ge [sflag:s9], $0x80  }
0x5a: {  	[sflag:s9] =	ssyncset.done $0x0  }
0x5b: {  	[sflag:s9] =	ssyncadd.s32 $0xFFFFFF80  }
0x5c: {  	[spmem:s4] =	stream.indirect.scatter.add.f32 [tilespmem:s3], [sflag:$0x7], $0x80, s29, s26, $0xb8;
	[tilespmem:$0x1BA80] =	vst v63  }
0x5d: {  	_ =	swait.ge [sflag:s2], $0x4000  }
0x5e: {  	[sflag:s2] =	ssyncset.done $0x0  }
0x5f: {  	[sflag:s2] =	ssyncadd.s32 $0xFFFFC000  }
0x60: {  	[tilespmem:s29], [sflag:$0x4] =	stream.linear.gather [hbm4b:s23+s5], $0x80, $0x38;
	[tilespmem:$0x1BA80] =	vst v63  }
0x61: {  	_ =	swait.ge [sflag:s0], $0x80  }
0x62: {  	[sflag:s0] =	ssyncset.done $0x0  }
0x63: {  	[sflag:s0] =	ssyncadd.s32 $0xFFFFFF80  }
0x64: {  	[tilespmem:s3], [sflag:$0x6] =	stream.indirect.gather [hbm4b:s1+s26], $0x80, s26, s26, $0xb8;
	[tilespmem:$0x1BA80] =	vst v63  }
0x65: {  	_ =	swait.ge [sflag:s7], $0x4000  }
0x66: {  	[sflag:s7] =	ssyncset.done $0x0  }
0x67: {  	[sflag:s7] =	ssyncadd.s32 $0xFFFFC000  }
0x68: {  	[tilespmem:s5], [sflag:$0x1] =	stream.linear.gather [hbm4b:s19+s5], $0x80, $0x38;
	[tilespmem:$0x1BA80] =	vst v63  }
0x69: {  	_ =	swait.ge [sflag:s10], $0x80  }
0x6a: {  	[sflag:s10] =	ssyncset.done $0x0  }
0x6b: {  	[sflag:s10] =	ssyncadd.s32 $0xFFFFFF80  }
0x6c: {  	[spmem:s4] =	stream.indirect.scatter.add.f32 [tilespmem:s31], [sflag:$0x7], $0x80, s28, s26, $0xb8;
	[tilespmem:$0x1BA80] =	vst v63  }
0x6d: {  	_ =	swait.ge [sflag:s2], $0x4000  }
0x6e: {  	[sflag:s2] =	ssyncset.done $0x0  }
0x6f: {  	s21 =	sadd.s32 $0x10, s19;
	[sflag:s2] =	ssyncadd.s32 $0xFFFFC000  }
0x70: {  	[tilespmem:s28], [sflag:$0x3] =	stream.linear.gather [hbm4b:s21+s5], $0x80, $0x38;
	[tilespmem:$0x1BA80] =	vst v63  }
0x71: {  	_ =	swait.ge [sflag:s30], $0x80  }
0x72: {  	[sflag:s30] =	ssyncset.done $0x0  }
0x73: {  	[sflag:s30] =	ssyncadd.s32 $0xFFFFFF80  }
0x74: {  	[tilespmem:s31], [sflag:$0x5] =	stream.indirect.gather [hbm4b:s1+s26], $0x80, s5, s26, $0xb8;
	[tilespmem:$0x1BA80] =	vst v63  }
0x75: {  	_ =	swait.ge [sflag:s8], $0x4000  }
0x76: {  	[sflag:s8] =	ssyncset.done $0x0  }
0x77: {  	[sflag:s8] =	ssyncadd.s32 $0xFFFFC000  }
0x78: {  	[tilespmem:s26], [sflag:$0x2] =	stream.linear.gather [hbm4b:s16+s5], $0x80, $0x38;
	[tilespmem:$0x1BA80] =	vst v63  }
0x79: {  	p2 =	sne.s32 s20, $0x1;
	_ =	swait.ge [sflag:s9], $0x80  }
.Ltmp2:
0x7a: {  	[sflag:s9] =	ssyncset.done $0x0;
	(pc) =	sbr.rel @!p2 .LBB2_5-.Ltmp2, $4  }
0x7b: {  	[sflag:s9] =	ssyncadd.s32 $0xFFFFFF80  }
0x7c: {  	[spmem:s4] =	stream.indirect.scatter.add.f32 [tilespmem:s3], [sflag:$0x7], $0x80, s29, s26, $0xb8;
	[tilespmem:$0x1BA80] =	vst v63  }
0x7d: {  	s14 =	sadd.s32 $0xFFFFFFFF, s20;
	s15 =	sadd.s32 $0x40, s23;
	_ =	swait.ge [sflag:s2], $0x4000  }
0x7e: {  	s17 =	smov.u32 s16;
	s18 =	smov.u32 s19;
	[sflag:s2] =	ssyncset.done $0x0  }
.LBB2_4:
0x7f: {  	[sflag:s2] =	ssyncadd.s32 $0xFFFFC000;
	s17 =	sadd.s32 $0x40, s17;
	s18 =	sadd.s32 $0x40, s18  }
0x80: {  	[tilespmem:s29], [sflag:$0x4] =	stream.linear.gather [hbm4b:s15+s5], $0x80, $0x38;
	[tilespmem:$0x1BA80] =	vst v63  }
0x81: {  	p2 =	sne.s32 s14, $0x1;
	s14 =	sadd.s32 $0xFFFFFFFF, s14;
	_ =	swait.ge [sflag:s0], $0x80  }
0x82: {  	[sflag:s0] =	ssyncset.done $0x0  }
0x83: {  	[sflag:s0] =	ssyncadd.s32 $0xFFFFFF80  }
0x84: {  	[tilespmem:s3], [sflag:$0x6] =	stream.indirect.gather [hbm4b:s1+s26], $0x80, s26, s26, $0xb8;
	[tilespmem:$0x1BA80] =	vst v63  }
0x85: {  	_ =	swait.ge [sflag:s7], $0x4000  }
0x86: {  	[sflag:s7] =	ssyncset.done $0x0  }
0x87: {  	[sflag:s7] =	ssyncadd.s32 $0xFFFFC000  }
0x88: {  	[tilespmem:s5], [sflag:$0x1] =	stream.linear.gather [hbm4b:s18+s5], $0x80, $0x38;
	[tilespmem:$0x1BA80] =	vst v63  }
0x89: {  	_ =	swait.ge [sflag:s10], $0x80  }
0x8a: {  	[sflag:s10] =	ssyncset.done $0x0  }
0x8b: {  	[sflag:s10] =	ssyncadd.s32 $0xFFFFFF80  }
0x8c: {  	[spmem:s4] =	stream.indirect.scatter.add.f32 [tilespmem:s31], [sflag:$0x7], $0x80, s28, s26, $0xb8;
	[tilespmem:$0x1BA80] =	vst v63  }
0x8d: {  	_ =	swait.ge [sflag:s2], $0x4000  }
0x8e: {  	[sflag:s2] =	ssyncset.done $0x0  }
0x8f: {  	s21 =	sadd.s32 $0x10, s18;
	[sflag:s2] =	ssyncadd.s32 $0xFFFFC000  }
0x90: {  	[tilespmem:s28], [sflag:$0x3] =	stream.linear.gather [hbm4b:s21+s5], $0x80, $0x38;
	[tilespmem:$0x1BA80] =	vst v63  }
0x91: {  	_ =	swait.ge [sflag:s30], $0x80  }
0x92: {  	[sflag:s30] =	ssyncset.done $0x0  }
0x93: {  	[sflag:s30] =	ssyncadd.s32 $0xFFFFFF80  }
0x94: {  	[tilespmem:s31], [sflag:$0x5] =	stream.indirect.gather [hbm4b:s1+s26], $0x80, s5, s26, $0xb8;
	[tilespmem:$0x1BA80] =	vst v63  }
0x95: {  	_ =	swait.ge [sflag:s8], $0x4000  }
0x96: {  	[sflag:s8] =	ssyncset.done $0x0  }
0x97: {  	[sflag:s8] =	ssyncadd.s32 $0xFFFFC000  }
0x98: {  	[tilespmem:s26], [sflag:$0x2] =	stream.linear.gather [hbm4b:s17+s5], $0x80, $0x38;
	[tilespmem:$0x1BA80] =	vst v63  }
0x99: {  	_ =	swait.ge [sflag:s9], $0x80  }
.Ltmp3:
0x9a: {  	[sflag:s9] =	ssyncset.done $0x0;
	(pc) =	sbr.rel @p2 .LBB2_4-.Ltmp3, $4  }
0x9b: {  	[sflag:s9] =	ssyncadd.s32 $0xFFFFFF80  }
0x9c: {  	[spmem:s4] =	stream.indirect.scatter.add.f32 [tilespmem:s3], [sflag:$0x7], $0x80, s29, s26, $0xb8;
	[tilespmem:$0x1BA80] =	vst v63  }
0x9d: {  	_ =	swait.ge [sflag:s2], $0x4000  }
0x9e: {  	s15 =	sadd.s32 $0x40, s15;
	[sflag:s2] =	ssyncset.done $0x0  }
.LBB2_5:
0x9f: {  	[sflag:s2] =	ssyncadd.s32 $0xFFFFC000;
	s14 =	rddreg [dreg:$0xe]  }
0xa0: {  	[tilespmem:s29], [sflag:$0x4] =	stream.linear.gather [hbm4b:s14+s5], $0x80, $0x38;
	[tilespmem:$0x1BA80] =	vst v63  }
0xa1: {  	_ =	swait.ge [sflag:s0], $0x80  }
0xa2: {  	[sflag:s0] =	ssyncset.done $0x0  }
0xa3: {  	[sflag:s0] =	ssyncadd.s32 $0xFFFFFF80  }
0xa4: {  	[tilespmem:s3], [sflag:$0x6] =	stream.indirect.gather [hbm4b:s1+s26], $0x80, s26, s26, $0xb8;
	[tilespmem:$0x1BA80] =	vst v63  }
0xa5: {  	_ =	swait.ge [sflag:s7], $0x4000  }
0xa6: {  	[sflag:s7] =	ssyncset.done $0x0  }
0xa7: {  	[sflag:s7] =	ssyncadd.s32 $0xFFFFC000  }
0xa8: {  	_ =	swait.ge [sflag:s10], $0x80  }
0xa9: {  	[sflag:s10] =	ssyncset.done $0x0  }
0xaa: {  	[sflag:s10] =	ssyncadd.s32 $0xFFFFFF80  }
0xab: {  	[spmem:s4] =	stream.indirect.scatter.add.f32 [tilespmem:s31], [sflag:$0x7], $0x80, s28, s26, $0xb8;
	[tilespmem:$0x1BA80] =	vst v63  }
0xac: {  	_ =	swait.ge [sflag:s2], $0x4000  }
0xad: {  	[sflag:s2] =	ssyncset.done $0x0  }
0xae: {  	[sflag:s2] =	ssyncadd.s32 $0xFFFFC000  }
0xaf: {  	_ =	swait.ge [sflag:s8], $0x4000  }
0xb0: {  	[sflag:s8] =	ssyncset.done $0x0  }
0xb1: {  	[sflag:s8] =	ssyncadd.s32 $0xFFFFC000  }
0xb2: {  	_ =	swait.ge [sflag:s9], $0x80  }
0xb3: {  	[sflag:s9] =	ssyncset.done $0x0  }
0xb4: {  	[sflag:s9] =	ssyncadd.s32 $0xFFFFFF80  }
0xb5: {  	[spmem:s4] =	stream.indirect.scatter.add.f32 [tilespmem:s3], [sflag:$0x7], $0x80, s29, s26, $0xb8;
	[tilespmem:$0x1BA80] =	vst v63  }
0xb6: {  	_ =	swait.ge [sflag:s2], $0x4000  }
0xb7: {  	[sflag:s2] =	ssyncset.done $0x0  }
0xb8: {  	[sflag:s2] =	ssyncadd.s32 $0xFFFFC000  }
0xb9: {  	s14 =	simm.s32 @p0 $0x1FC7;
	[bflag:$0x0] =	sbarrier.arrive $0xFFFF  }
0xba: {  	[hbm:s22], [sflag:s14] =	dma.local @p0 [spmem:s25], $0x1900  }
0xbb: {  	s15 =	stileid.u32;
	s14 =	simm.s32 @p0 $0x7  }
0xbc: {  	s13 =	sadd.s32 $0x1, s13;
	s15 =	sshll.u32 @!p0 s15, $0x6;
	_ =	swait.ge @p0 [sflag:s14], $0x1900  }
0xbd: {  	p2 =	sne.s32 s13, s24;
	[sflag:s14] =	ssyncset.done @p0 $0x0;
	s17 =	rddreg [dreg:$0xc]  }
0xbe: {  	[sflag:s14] =	ssyncadd.s32 @p0 $0xFFFFE700;
	s14 =	sor.u32 @!p0 $0x1C07, s15;
	s15 =	sshrl.u32 @!p0 s12, $0x3  }
0xbf: {  	[hbm:s17], [sflag:s14] =	dma.local @!p0 [spmem:s15], $0x2800  }
.Ltmp4:
0xc0: {  	_ = 	snop;
	(pc) =	sbr.rel @p2 .LBB2_1-.Ltmp4, $4  }
0xc1: {  	s14 =	simm.s32 @!p0 $0x7  }
0xc2: {  	_ =	swait.ge @!p0 [sflag:s14], $0x2800  }
0xc3: {  	[sflag:s14] =	ssyncset.done @!p0 $0x0  }
0xc4: {  	[sflag:s14] =	ssyncadd.s32 @!p0 $0xFFFFD800  }
0xc5: {  	_ =	sfence.sel $0x180000  }
0xc6: {  	[bflag:$0x0] =	sbarrier.arrive $0xFFFF  }
0xc7: {  	_ =	strace $0x90000047  }
0xc8: {  	s0 =	stileid.u32;
	[bflag:$0x2] =	sbarrier.arrive $0xFFFF  }
0xc9: {  	p0 =	sne.s32 s0, $0x0;
	s0 =	rddreg [dreg:$0x5]  }
0xca: {  	s0 =	sadd.s32 @!p0 $0x100000, s0  }
0xcb: {  	[sflag:s0] =	ssyncadd.tile.s32 @!p0 $0x1;
	_ =	shalt  }
.Lfunc_end2:
_tile_overlayer_lowered:
.L_overlay_start_2:
0xcc: {  	(tag) =	ssettag $0x2  }
0xcd: {  	s0 =	rddreg [dreg:$0x0];
	s2 =	stileid.u32  }
0xce: {  	s1 =	rddreg [dreg:$0x1];
	p0 =	sne.s32 s2, $0x0  }
0xcf: {  	s3 =	rddreg [dreg:$0x2];
	[bflag:$0x3] =	sbarrier.arrive $0xFFFF;
	s2 =	simm.s32 @!p0 $0x1C07  }
0xd0: {  	[timem:s3], [sflag:s2] =	dma.local @!p0 [hbm:s0], s1  }
0xd1: {  	s0 =	simm.s32 @!p0 $0x7  }
0xd2: {  	_ =	swait.ge @!p0 [sflag:s0], s1  }
0xd3: {  	s1 =	ssub.s32 @!p0 $0x0, s1;
	[sflag:s0] =	ssyncset.done @!p0 $0x0  }
0xd4: {  	[sflag:s0] =	ssyncadd.s32 @!p0 s1  }
0xd5: {  	[bflag:$0x3] =	sbarrier.arrive $0xFFFF  }
0xd6: {  	_ =	shalt  }

</sc_bundles>
